<compile_context>
chip_gen: v7x
topology: tpu7x:2x2x1
jax: 0.10.2.dev20260603
libtpu: 0.0.44.dev20260713+nightly
codegen_flags: <defaults>
</compile_context>

<pallas_src>
import functools

import jax
import jax.numpy as jnp
from jax import lax
from jax.experimental import pallas as pl
from jax.experimental.pallas import tpu as pltpu
from jax.experimental.pallas import tpu_sc as plsc

_NBUF = 4


def _pick_chunk(n_rows_per_batch: int, d: int, nb: int) -> int:
    budget = 460_000 // nb
    best = 0
    for ch in range(16, n_rows_per_batch + 1, 16):
        if n_rows_per_batch % ch:
            continue
        if ch * d * 4 + ch * 4 <= budget:
            best = ch
    if best == 0:
        raise ValueError("no valid chunk size")
    return best


@functools.partial(jax.jit, static_argnames=("bsz", "n", "d", "ch", "nb"))
def _sc_gather(table, idx, bsz, n, d, ch, nb):
    nchunks = (bsz * n) // ch
    chunks_per_batch = n // ch
    mesh = plsc.VectorSubcoreMesh(core_axis_name="c", subcore_axis_name="s")
    info = plsc.get_sparse_core_info()
    nw = info.num_cores * info.num_subcores

    @functools.partial(
        pl.kernel,
        out_type=jax.ShapeDtypeStruct((bsz * n, d), table.dtype),
        mesh=mesh,
        scratch_types=(
            [pltpu.VMEM((ch,), jnp.int32) for _ in range(nb)]
            + [pltpu.VMEM((ch, d), table.dtype) for _ in range(nb)]
            + [pltpu.SemaphoreType.DMA for _ in range(3 * nb)]
        ),
    )
    def k(table_hbm, idx_hbm, out_hbm, *scr):
        idxs, rows = scr[0:nb], scr[nb:2 * nb]
        semi, semg, sems = scr[2 * nb:3 * nb], scr[3 * nb:4 * nb], scr[4 * nb:]
        bufs = tuple(zip(idxs, rows, semi, semg, sems))
        wid = lax.axis_index("s") * info.num_cores + lax.axis_index("c")
        iters = (nchunks + nw - 1) // nw

        def drain_scatter(rows_v, sem):
            pltpu.make_async_copy(rows_v, out_hbm.at[pl.ds(0, ch)], sem).wait()

        def idx_src(c):
            return idx_hbm.at[pl.ds(c * ch, ch)]

        for par, (idx_v, _, si, _, _) in enumerate(bufs):
            c0 = wid + par * nw

            @pl.when(c0 < nchunks)
            def _():
                pltpu.async_copy(idx_src(c0), idx_v, si)

        kmax = iters + 1
        kmax_r = kmax + (-kmax) % nb

        @pl.loop(0, kmax_r, step=nb)
        def _(i):
            for par in range(nb):
                k_it = i + par
                c = wid + k_it * nw
                idx_v, rows_v, si, sg, ss = bufs[par]
                pidx_v, prows_v, psi, psg, pss = bufs[(par - 1) % nb]

                @pl.when(c < nchunks)
                def _():
                    pltpu.make_async_copy(
                        idx_hbm.at[pl.ds(0, ch)], idx_v, si).wait()
                    boff = (c // chunks_per_batch) * n

                    @pl.loop(0, ch, step=16)
                    def _(j):
                        sl = pl.ds(j, 16)
                        idx_v[sl] = idx_v[sl] + boff

                    @pl.when(k_it >= nb)
                    def _():
                        drain_scatter(rows_v, ss)

                    pltpu.async_copy(table_hbm.at[idx_v], rows_v, sg)

                @pl.when((k_it >= 1) & (c - nw < nchunks))
                def _():
                    pltpu.make_async_copy(
                        table_hbm.at[pidx_v], prows_v, psg).wait()
                    pltpu.async_copy(
                        prows_v, out_hbm.at[pl.ds((c - nw) * ch, ch)], pss)

                    @pl.when(c + (nb - 1) * nw < nchunks)
                    def _():
                        pltpu.async_copy(
                            idx_src(c + (nb - 1) * nw), pidx_v, psi)

        for par, (_, rows_v, _, _, ss) in enumerate(bufs):
            @pl.when(wid + par * nw < nchunks)
            def _():
                drain_scatter(rows_v, ss)

    return k(table, idx)


def kernel(vertices, reverse_map):
    bsz, n, d = vertices.shape
    ch = _pick_chunk(n, d, _NBUF)
    table = vertices.reshape(bsz * n, d)
    idx = reverse_map.reshape(bsz * n).astype(jnp.int32)
    out = _sc_gather(table, idx, bsz, n, d, ch, _NBUF)
    return out.reshape(bsz, n, d)

# --- scband reference (transcript-rebuilt; emitter-appended) ---
"""Pipeline reference for scband-inverse-graph-propagation-33543694582287 (READ-ONLY COPY).

The authoritative reference and input builder live on the scoring server;
editing this copy changes nothing except your own understanding.
"""

import jax, jax.numpy as jnp
import numpy as np


def setup_inputs(seed: int = 0) -> dict:
    key = jax.random.key(seed)
    k1, k2 = jax.random.split(key)
    B, N, D = 4, 100000, 128
    vertices = jax.random.normal(k1, (B, N, D), dtype=jnp.float32)
    reverse_map = jax.random.randint(k2, (B, N), 0, N, dtype=jnp.int32)
    return {"vertices": vertices, "reverse_map": reverse_map}


def reference(vertices, reverse_map):
    # InverseGraphPropagation: for each graph in the batch, reorder the
    # vertex feature rows according to reverse_map (inverse permutation
    # gather): new_vertices[b, i, :] = vertices[b, reverse_map[b, i], :]
    # This is the per-example gather the original map_fn over
    # (inputs[0], inputs[1]) performs.
    idx = reverse_map[:, :, None]  # [B, N, 1], broadcasts over feature dim
    new_vertices = jnp.take_along_axis(vertices, idx, axis=1)
    return new_vertices

if __name__ == "__main__":
    import jax
    _d = setup_inputs()
    print(jax.jit(kernel)(*tuple(_d.values())))

</pallas_src>

<mosaic_0001>
#map = affine_map<(d0, d1) -> (0, 0)>
#map1 = affine_map<(d0, d1) -> (0)>
module attributes {stable_mosaic.version = 14 : i64} {
  func.func @k(%arg0: i32, %arg1: i32, %arg2: memref<400000x128xf32, #tpu.memory_space<hbm>>, %arg3: memref<400000xi32, #tpu.memory_space<hbm>>, %arg4: memref<400000x128xf32, #tpu.memory_space<hbm>>, %arg5: memref<160xi32, #tpu.memory_space<vmem>>, %arg6: memref<160xi32, #tpu.memory_space<vmem>>, %arg7: memref<160xi32, #tpu.memory_space<vmem>>, %arg8: memref<160xi32, #tpu.memory_space<vmem>>, %arg9: memref<160x128xf32, #tpu.memory_space<vmem>>, %arg10: memref<160x128xf32, #tpu.memory_space<vmem>>, %arg11: memref<160x128xf32, #tpu.memory_space<vmem>>, %arg12: memref<160x128xf32, #tpu.memory_space<vmem>>, %arg13: memref<!tpu.dma_semaphore, #tpu.memory_space<semaphore_mem>>, %arg14: memref<!tpu.dma_semaphore, #tpu.memory_space<semaphore_mem>>, %arg15: memref<!tpu.dma_semaphore, #tpu.memory_space<semaphore_mem>>, %arg16: memref<!tpu.dma_semaphore, #tpu.memory_space<semaphore_mem>>, %arg17: memref<!tpu.dma_semaphore, #tpu.memory_space<semaphore_mem>>, %arg18: memref<!tpu.dma_semaphore, #tpu.memory_space<semaphore_mem>>, %arg19: memref<!tpu.dma_semaphore, #tpu.memory_space<semaphore_mem>>, %arg20: memref<!tpu.dma_semaphore, #tpu.memory_space<semaphore_mem>>, %arg21: memref<!tpu.dma_semaphore, #tpu.memory_space<semaphore_mem>>, %arg22: memref<!tpu.dma_semaphore, #tpu.memory_space<semaphore_mem>>, %arg23: memref<!tpu.dma_semaphore, #tpu.memory_space<semaphore_mem>>, %arg24: memref<!tpu.dma_semaphore, #tpu.memory_space<semaphore_mem>>) attributes {dimension_semantics = [#tpu.dimension_semantics<core_parallel>, #tpu.dimension_semantics<subcore_parallel>], iteration_bounds = array<i64: 2, 16>, scalar_prefetch = 0 : i64, scratch_operands = 20 : i64, tpu.core_type = #tpu.core_type<sc_vector_subcore>, window_params = [{transform_indices = #map}, {transform_indices = #map1}, {transform_indices = #map}]} {
    %mul3A = arith.constant 2 : i32
    %mul3A_0 = arith.muli %arg1, %mul3A : i32
    %add3A = arith.addi %mul3A_0, %arg0 : i32
    %add3A_1 = arith.constant 0 : i32
    %add3A_2 = arith.addi %add3A, %add3A_1 : i32
    %lt3A = arith.constant 2500 : i32
    %lt3A_3 = arith.cmpi slt, %add3A_2, %lt3A : i32
    %convert_element_type3A = arith.extui %lt3A_3 : i1 to i32
    %cond3A = arith.constant 0 : i32
    %cond3A_4 = arith.cmpi ne, %convert_element_type3A, %cond3A : i32
    scf.if %cond3A_4 {
      %mul3A_58 = arith.constant 160 : i32
      %mul3A_59 = arith.muli %add3A_2, %mul3A_58 : i32
      %dma_start3A = tpu.memref_slice %arg3[%mul3A_59] : memref<400000xi32, #tpu.memory_space<hbm>> -> memref<160xi32, #tpu.memory_space<hbm>>
      %dma_start3A_60 = tpu.memref_slice %arg3[%mul3A_59] : memref<400000xi32, #tpu.memory_space<hbm>> -> memref<160xi32, #tpu.memory_space<hbm>>
      tpu.enqueue_dma source(%dma_start3A_60 : memref<160xi32, #tpu.memory_space<hbm>>) target(%arg5 : memref<160xi32, #tpu.memory_space<vmem>>) target_semaphore(%arg13 : memref<!tpu.dma_semaphore, #tpu.memory_space<semaphore_mem>>)
    } else {
    }
    %add3A_5 = arith.constant 32 : i32
    %add3A_6 = arith.addi %add3A, %add3A_5 : i32
    %lt3A_7 = arith.constant 2500 : i32
    %lt3A_8 = arith.cmpi slt, %add3A_6, %lt3A_7 : i32
    %convert_element_type3A_9 = arith.extui %lt3A_8 : i1 to i32
    %cond3A_10 = arith.constant 0 : i32
    %cond3A_11 = arith.cmpi ne, %convert_element_type3A_9, %cond3A_10 : i32
    scf.if %cond3A_11 {
      %mul3A_58 = arith.constant 160 : i32
      %mul3A_59 = arith.muli %add3A_6, %mul3A_58 : i32
      %dma_start3A = tpu.memref_slice %arg3[%mul3A_59] : memref<400000xi32, #tpu.memory_space<hbm>> -> memref<160xi32, #tpu.memory_space<hbm>>
      %dma_start3A_60 = tpu.memref_slice %arg3[%mul3A_59] : memref<400000xi32, #tpu.memory_space<hbm>> -> memref<160xi32, #tpu.memory_space<hbm>>
      tpu.enqueue_dma source(%dma_start3A_60 : memref<160xi32, #tpu.memory_space<hbm>>) target(%arg6 : memref<160xi32, #tpu.memory_space<vmem>>) target_semaphore(%arg14 : memref<!tpu.dma_semaphore, #tpu.memory_space<semaphore_mem>>)
    } else {
    }
    %add3A_12 = arith.constant 64 : i32
    %add3A_13 = arith.addi %add3A, %add3A_12 : i32
    %lt3A_14 = arith.constant 2500 : i32
    %lt3A_15 = arith.cmpi slt, %add3A_13, %lt3A_14 : i32
    %convert_element_type3A_16 = arith.extui %lt3A_15 : i1 to i32
    %cond3A_17 = arith.constant 0 : i32
    %cond3A_18 = arith.cmpi ne, %convert_element_type3A_16, %cond3A_17 : i32
    scf.if %cond3A_18 {
      %mul3A_58 = arith.constant 160 : i32
      %mul3A_59 = arith.muli %add3A_13, %mul3A_58 : i32
      %dma_start3A = tpu.memref_slice %arg3[%mul3A_59] : memref<400000xi32, #tpu.memory_space<hbm>> -> memref<160xi32, #tpu.memory_space<hbm>>
      %dma_start3A_60 = tpu.memref_slice %arg3[%mul3A_59] : memref<400000xi32, #tpu.memory_space<hbm>> -> memref<160xi32, #tpu.memory_space<hbm>>
      tpu.enqueue_dma source(%dma_start3A_60 : memref<160xi32, #tpu.memory_space<hbm>>) target(%arg7 : memref<160xi32, #tpu.memory_space<vmem>>) target_semaphore(%arg15 : memref<!tpu.dma_semaphore, #tpu.memory_space<semaphore_mem>>)
    } else {
    }
    %add3A_19 = arith.constant 96 : i32
    %add3A_20 = arith.addi %add3A, %add3A_19 : i32
    %lt3A_21 = arith.constant 2500 : i32
    %lt3A_22 = arith.cmpi slt, %add3A_20, %lt3A_21 : i32
    %convert_element_type3A_23 = arith.extui %lt3A_22 : i1 to i32
    %cond3A_24 = arith.constant 0 : i32
    %cond3A_25 = arith.cmpi ne, %convert_element_type3A_23, %cond3A_24 : i32
    scf.if %cond3A_25 {
      %mul3A_58 = arith.constant 160 : i32
      %mul3A_59 = arith.muli %add3A_20, %mul3A_58 : i32
      %dma_start3A = tpu.memref_slice %arg3[%mul3A_59] : memref<400000xi32, #tpu.memory_space<hbm>> -> memref<160xi32, #tpu.memory_space<hbm>>
      %dma_start3A_60 = tpu.memref_slice %arg3[%mul3A_59] : memref<400000xi32, #tpu.memory_space<hbm>> -> memref<160xi32, #tpu.memory_space<hbm>>
      tpu.enqueue_dma source(%dma_start3A_60 : memref<160xi32, #tpu.memory_space<hbm>>) target(%arg8 : memref<160xi32, #tpu.memory_space<vmem>>) target_semaphore(%arg16 : memref<!tpu.dma_semaphore, #tpu.memory_space<semaphore_mem>>)
    } else {
    }
    %scan3A = arith.constant 0 : i32
    %scan3A_26 = arith.constant 20 : i32
    %scan3A_27 = arith.addi %scan3A, %scan3A_26 : i32
    %scan3A_28 = arith.constant 1 : i32
    scf.for %scan3A_58 = %scan3A to %scan3A_27 step %scan3A_28  : i32 {
      %mul3A_59 = arith.constant 4 : i32
      %mul3A_60 = arith.muli %scan3A_58, %mul3A_59 : i32
      %add3A_61 = arith.constant 0 : i32
      %add3A_62 = arith.addi %add3A_61, %mul3A_60 : i32
      %add3A_63 = arith.constant 0 : i32
      %add3A_64 = arith.addi %add3A_62, %add3A_63 : i32
      %mul3A_65 = arith.constant 32 : i32
      %mul3A_66 = arith.muli %add3A_64, %mul3A_65 : i32
      %add3A_67 = arith.addi %add3A, %mul3A_66 : i32
      %lt3A_68 = arith.constant 2500 : i32
      %lt3A_69 = arith.cmpi slt, %add3A_67, %lt3A_68 : i32
      %convert_element_type3A_70 = arith.extui %lt3A_69 : i1 to i32
      %cond3A_71 = arith.constant 0 : i32
      %cond3A_72 = arith.cmpi ne, %convert_element_type3A_70, %cond3A_71 : i32
      scf.if %cond3A_72 {
        %dma_wait3A = arith.constant 0 : i32
        %dma_wait3A_140 = tpu.memref_slice %arg3[%dma_wait3A] : memref<400000xi32, #tpu.memory_space<hbm>> -> memref<160xi32, #tpu.memory_space<hbm>>
        %dma_wait3A_141 = arith.constant 0 : i32
        %dma_wait3A_142 = tpu.memref_slice %arg3[%dma_wait3A_141] : memref<400000xi32, #tpu.memory_space<hbm>> -> memref<160xi32, #tpu.memory_space<hbm>>
        tpu.wait_dma2 semaphore(%arg13 : memref<!tpu.dma_semaphore, #tpu.memory_space<semaphore_mem>>) src(%dma_wait3A_142 : memref<160xi32, #tpu.memory_space<hbm>>) dst(%arg5 : memref<160xi32, #tpu.memory_space<vmem>>)
        %jit3A = arith.constant 625 : i32
        %div3A = arith.divsi %add3A_67, %jit3A : i32
        %sign3A = arith.constant 0 : i32
        %sign3A_143 = arith.cmpi sgt, %add3A_67, %sign3A : i32
        %sign3A_144 = arith.extui %sign3A_143 : i1 to i32
        %sign3A_145 = arith.constant 0 : i32
        %sign3A_146 = arith.cmpi slt, %add3A_67, %sign3A_145 : i32
        %sign3A_147 = arith.extui %sign3A_146 : i1 to i32
        %sign3A_148 = arith.subi %sign3A_144, %sign3A_147 : i32
        %sign3A_149 = arith.constant 0 : i32
        %sign3A_150 = arith.cmpi sgt, %jit3A, %sign3A_149 : i32
        %sign3A_151 = arith.extui %sign3A_150 : i1 to i32
        %sign3A_152 = arith.constant 0 : i32
        %sign3A_153 = arith.cmpi slt, %jit3A, %sign3A_152 : i32
        %sign3A_154 = arith.extui %sign3A_153 : i1 to i32
        %sign3A_155 = arith.subi %sign3A_151, %sign3A_154 : i32
        %ne3A = arith.cmpi ne, %sign3A_148, %sign3A_155 : i32
        %rem3A = arith.remsi %add3A_67, %jit3A : i32
        %ne3A_156 = arith.constant 0 : i32
        %ne3A_157 = arith.cmpi ne, %rem3A, %ne3A_156 : i32
        %and3A_158 = arith.andi %ne3A, %ne3A_157 : i1
        %sub3A_159 = arith.constant 1 : i32
        %sub3A_160 = arith.subi %div3A, %sub3A_159 : i32
        %select_n3A = arith.select %and3A_158, %sub3A_160, %div3A : i32
        %mul3A_161 = arith.constant 100000 : i32
        %mul3A_162 = arith.muli %select_n3A, %mul3A_161 : i32
        %scan3A_163 = arith.constant 0 : i32
        %scan3A_164 = arith.constant 10 : i32
        %scan3A_165 = arith.addi %scan3A_163, %scan3A_164 : i32
        %scan3A_166 = arith.constant 1 : i32
        scf.for %scan3A_175 = %scan3A_163 to %scan3A_165 step %scan3A_166  : i32 {
          %mul3A_176 = arith.constant 16 : i32
          %mul3A_177 = arith.muli %scan3A_175, %mul3A_176 : i32
          %add3A_178 = arith.constant 0 : i32
          %add3A_179 = arith.addi %add3A_178, %mul3A_177 : i32
          %get3A = arith.index_cast %add3A_179 : i32 to index
          %get3A_180 = tpu.vector_load %arg5[%get3A] {strides = array<i32>} : memref<160xi32, #tpu.memory_space<vmem>>, vector<16xi32>,
          %get3A_181 = vector.shape_cast %get3A_180 : vector<16xi32> to vector<16xi32>
          %add3A_182 = vector.broadcast %mul3A_162 : i32 to vector<16xi32>
          %add3A_183 = arith.addi %get3A_181, %add3A_182 : vector<16xi32>
          %swap3A = arith.index_cast %add3A_179 : i32 to index
          %swap3A_184 = tpu.vector_load %arg5[%swap3A] {strides = array<i32>} : memref<160xi32, #tpu.memory_space<vmem>>, vector<16xi32>,
          %swap3A_185 = vector.shape_cast %swap3A_184 : vector<16xi32> to vector<16xi32>
          %swap3A_186 = vector.shape_cast %add3A_183 : vector<16xi32> to vector<16xi32>
          tpu.vector_store %arg5[%swap3A], %swap3A_186 {strides = array<i32>} : memref<160xi32, #tpu.memory_space<vmem>>, vector<16xi32>,
        }
        %scan3A_167 = arith.constant 10 : i32
        %ge3A_168 = arith.constant 4 : i32
        %ge3A_169 = arith.cmpi sge, %add3A_64, %ge3A_168 : i32
        %convert_element_type3A_170 = arith.extui %ge3A_169 : i1 to i32
        %cond3A_171 = arith.constant 0 : i32
        %cond3A_172 = arith.cmpi ne, %convert_element_type3A_170, %cond3A_171 : i32
        scf.if %cond3A_172 {
          %dma_wait3A_175 = arith.constant 0 : i32
          %dma_wait3A_176 = arith.constant 0 : i32
          %dma_wait3A_177 = tpu.memref_slice %arg4[%dma_wait3A_175, %dma_wait3A_176] : memref<400000x128xf32, #tpu.memory_space<hbm>> -> memref<160x128xf32, #tpu.memory_space<hbm>>
          %dma_wait3A_178 = arith.constant 0 : i32
          %dma_wait3A_179 = arith.constant 0 : i32
          %dma_wait3A_180 = tpu.memref_slice %arg4[%dma_wait3A_178, %dma_wait3A_179] : memref<400000x128xf32, #tpu.memory_space<hbm>> -> memref<160x128xf32, #tpu.memory_space<hbm>>
          tpu.wait_dma2 semaphore(%arg21 : memref<!tpu.dma_semaphore, #tpu.memory_space<semaphore_mem>>) src(%arg9 : memref<160x128xf32, #tpu.memory_space<vmem>>) dst(%dma_wait3A_180 : memref<160x128xf32, #tpu.memory_space<hbm>>)
        } else {
        }
        %dma_start3A = arith.constant 0 : i32
        %dma_start3A_173 = arith.constant 0 : i32
        %dma_start3A_174 = tpu.memref_slice %arg2[%dma_start3A, %dma_start3A_173] : memref<400000x128xf32, #tpu.memory_space<hbm>> -> memref<400000x128xf32, #tpu.memory_space<hbm>>
        tpu.enqueue_indirect_dma source(%dma_start3A_174 : memref<400000x128xf32, #tpu.memory_space<hbm>>) target(%arg9 : memref<160x128xf32, #tpu.memory_space<vmem>>) offsets(%arg5 : memref<160xi32, #tpu.memory_space<vmem>>) semaphore(%arg17 : memref<!tpu.dma_semaphore, #tpu.memory_space<semaphore_mem>>)
      } else {
      }
      %ge3A = arith.constant 1 : i32
      %ge3A_73 = arith.cmpi sge, %add3A_64, %ge3A : i32
      %sub3A = arith.constant 32 : i32
      %sub3A_74 = arith.subi %add3A_67, %sub3A : i32
      %lt3A_75 = arith.constant 2500 : i32
      %lt3A_76 = arith.cmpi slt, %sub3A_74, %lt3A_75 : i32
      %and3A = arith.andi %ge3A_73, %lt3A_76 : i1
      %convert_element_type3A_77 = arith.extui %and3A : i1 to i32
      %cond3A_78 = arith.constant 0 : i32
      %cond3A_79 = arith.cmpi ne, %convert_element_type3A_77, %cond3A_78 : i32
      scf.if %cond3A_79 {
        %dma_wait3A = arith.constant 0 : i32
        %dma_wait3A_140 = arith.constant 0 : i32
        %dma_wait3A_141 = tpu.memref_slice %arg2[%dma_wait3A, %dma_wait3A_140] : memref<400000x128xf32, #tpu.memory_space<hbm>> -> memref<400000x128xf32, #tpu.memory_space<hbm>>
        tpu.wait_indirect_dma semaphore(%arg20 : memref<!tpu.dma_semaphore, #tpu.memory_space<semaphore_mem>>) src(%dma_wait3A_141 : memref<400000x128xf32, #tpu.memory_space<hbm>>) dst(%arg12 : memref<160x128xf32, #tpu.memory_space<vmem>>)
        %sub3A_142 = arith.constant 32 : i32
        %sub3A_143 = arith.subi %add3A_67, %sub3A_142 : i32
        %mul3A_144 = arith.constant 160 : i32
        %mul3A_145 = arith.muli %sub3A_143, %mul3A_144 : i32
        %dma_start3A = arith.constant 0 : i32
        %dma_start3A_146 = tpu.memref_slice %arg4[%mul3A_145, %dma_start3A] : memref<400000x128xf32, #tpu.memory_space<hbm>> -> memref<160x128xf32, #tpu.memory_space<hbm>>
        %dma_start3A_147 = arith.constant 0 : i32
        %dma_start3A_148 = tpu.memref_slice %arg4[%mul3A_145, %dma_start3A_147] : memref<400000x128xf32, #tpu.memory_space<hbm>> -> memref<160x128xf32, #tpu.memory_space<hbm>>
        tpu.enqueue_dma source(%arg12 : memref<160x128xf32, #tpu.memory_space<vmem>>) target(%dma_start3A_148 : memref<160x128xf32, #tpu.memory_space<hbm>>) target_semaphore(%arg24 : memref<!tpu.dma_semaphore, #tpu.memory_space<semaphore_mem>>)
        %add3A_149 = arith.constant 96 : i32
        %add3A_150 = arith.addi %add3A_67, %add3A_149 : i32
        %lt3A_151 = arith.constant 2500 : i32
        %lt3A_152 = arith.cmpi slt, %add3A_150, %lt3A_151 : i32
        %convert_element_type3A_153 = arith.extui %lt3A_152 : i1 to i32
        %cond3A_154 = arith.constant 0 : i32
        %cond3A_155 = arith.cmpi ne, %convert_element_type3A_153, %cond3A_154 : i32
        scf.if %cond3A_155 {
          %add3A_156 = arith.constant 96 : i32
          %add3A_157 = arith.addi %add3A_67, %add3A_156 : i32
          %mul3A_158 = arith.constant 160 : i32
          %mul3A_159 = arith.muli %add3A_157, %mul3A_158 : i32
          %dma_start3A_160 = tpu.memref_slice %arg3[%mul3A_159] : memref<400000xi32, #tpu.memory_space<hbm>> -> memref<160xi32, #tpu.memory_space<hbm>>
          %dma_start3A_161 = tpu.memref_slice %arg3[%mul3A_159] : memref<400000xi32, #tpu.memory_space<hbm>> -> memref<160xi32, #tpu.memory_space<hbm>>
          tpu.enqueue_dma source(%dma_start3A_161 : memref<160xi32, #tpu.memory_space<hbm>>) target(%arg8 : memref<160xi32, #tpu.memory_space<vmem>>) target_semaphore(%arg16 : memref<!tpu.dma_semaphore, #tpu.memory_space<semaphore_mem>>)
        } else {
        }
      } else {
      }
      %add3A_80 = arith.constant 1 : i32
      %add3A_81 = arith.addi %add3A_62, %add3A_80 : i32
      %mul3A_82 = arith.constant 32 : i32
      %mul3A_83 = arith.muli %add3A_81, %mul3A_82 : i32
      %add3A_84 = arith.addi %add3A, %mul3A_83 : i32
      %lt3A_85 = arith.constant 2500 : i32
      %lt3A_86 = arith.cmpi slt, %add3A_84, %lt3A_85 : i32
      %convert_element_type3A_87 = arith.extui %lt3A_86 : i1 to i32
      %cond3A_88 = arith.constant 0 : i32
      %cond3A_89 = arith.cmpi ne, %convert_element_type3A_87, %cond3A_88 : i32
      scf.if %cond3A_89 {
        %dma_wait3A = arith.constant 0 : i32
        %dma_wait3A_140 = tpu.memref_slice %arg3[%dma_wait3A] : memref<400000xi32, #tpu.memory_space<hbm>> -> memref<160xi32, #tpu.memory_space<hbm>>
        %dma_wait3A_141 = arith.constant 0 : i32
        %dma_wait3A_142 = tpu.memref_slice %arg3[%dma_wait3A_141] : memref<400000xi32, #tpu.memory_space<hbm>> -> memref<160xi32, #tpu.memory_space<hbm>>
        tpu.wait_dma2 semaphore(%arg14 : memref<!tpu.dma_semaphore, #tpu.memory_space<semaphore_mem>>) src(%dma_wait3A_142 : memref<160xi32, #tpu.memory_space<hbm>>) dst(%arg6 : memref<160xi32, #tpu.memory_space<vmem>>)
        %jit3A = arith.constant 625 : i32
        %div3A = arith.divsi %add3A_84, %jit3A : i32
        %sign3A = arith.constant 0 : i32
        %sign3A_143 = arith.cmpi sgt, %add3A_84, %sign3A : i32
        %sign3A_144 = arith.extui %sign3A_143 : i1 to i32
        %sign3A_145 = arith.constant 0 : i32
        %sign3A_146 = arith.cmpi slt, %add3A_84, %sign3A_145 : i32
        %sign3A_147 = arith.extui %sign3A_146 : i1 to i32
        %sign3A_148 = arith.subi %sign3A_144, %sign3A_147 : i32
        %sign3A_149 = arith.constant 0 : i32
        %sign3A_150 = arith.cmpi sgt, %jit3A, %sign3A_149 : i32
        %sign3A_151 = arith.extui %sign3A_150 : i1 to i32
        %sign3A_152 = arith.constant 0 : i32
        %sign3A_153 = arith.cmpi slt, %jit3A, %sign3A_152 : i32
        %sign3A_154 = arith.extui %sign3A_153 : i1 to i32
        %sign3A_155 = arith.subi %sign3A_151, %sign3A_154 : i32
        %ne3A = arith.cmpi ne, %sign3A_148, %sign3A_155 : i32
        %rem3A = arith.remsi %add3A_84, %jit3A : i32
        %ne3A_156 = arith.constant 0 : i32
        %ne3A_157 = arith.cmpi ne, %rem3A, %ne3A_156 : i32
        %and3A_158 = arith.andi %ne3A, %ne3A_157 : i1
        %sub3A_159 = arith.constant 1 : i32
        %sub3A_160 = arith.subi %div3A, %sub3A_159 : i32
        %select_n3A = arith.select %and3A_158, %sub3A_160, %div3A : i32
        %mul3A_161 = arith.constant 100000 : i32
        %mul3A_162 = arith.muli %select_n3A, %mul3A_161 : i32
        %scan3A_163 = arith.constant 0 : i32
        %scan3A_164 = arith.constant 10 : i32
        %scan3A_165 = arith.addi %scan3A_163, %scan3A_164 : i32
        %scan3A_166 = arith.constant 1 : i32
        scf.for %scan3A_175 = %scan3A_163 to %scan3A_165 step %scan3A_166  : i32 {
          %mul3A_176 = arith.constant 16 : i32
          %mul3A_177 = arith.muli %scan3A_175, %mul3A_176 : i32
          %add3A_178 = arith.constant 0 : i32
          %add3A_179 = arith.addi %add3A_178, %mul3A_177 : i32
          %get3A = arith.index_cast %add3A_179 : i32 to index
          %get3A_180 = tpu.vector_load %arg6[%get3A] {strides = array<i32>} : memref<160xi32, #tpu.memory_space<vmem>>, vector<16xi32>,
          %get3A_181 = vector.shape_cast %get3A_180 : vector<16xi32> to vector<16xi32>
          %add3A_182 = vector.broadcast %mul3A_162 : i32 to vector<16xi32>
          %add3A_183 = arith.addi %get3A_181, %add3A_182 : vector<16xi32>
          %swap3A = arith.index_cast %add3A_179 : i32 to index
          %swap3A_184 = tpu.vector_load %arg6[%swap3A] {strides = array<i32>} : memref<160xi32, #tpu.memory_space<vmem>>, vector<16xi32>,
          %swap3A_185 = vector.shape_cast %swap3A_184 : vector<16xi32> to vector<16xi32>
          %swap3A_186 = vector.shape_cast %add3A_183 : vector<16xi32> to vector<16xi32>
          tpu.vector_store %arg6[%swap3A], %swap3A_186 {strides = array<i32>} : memref<160xi32, #tpu.memory_space<vmem>>, vector<16xi32>,
        }
        %scan3A_167 = arith.constant 10 : i32
        %ge3A_168 = arith.constant 4 : i32
        %ge3A_169 = arith.cmpi sge, %add3A_81, %ge3A_168 : i32
        %convert_element_type3A_170 = arith.extui %ge3A_169 : i1 to i32
        %cond3A_171 = arith.constant 0 : i32
        %cond3A_172 = arith.cmpi ne, %convert_element_type3A_170, %cond3A_171 : i32
        scf.if %cond3A_172 {
          %dma_wait3A_175 = arith.constant 0 : i32
          %dma_wait3A_176 = arith.constant 0 : i32
          %dma_wait3A_177 = tpu.memref_slice %arg4[%dma_wait3A_175, %dma_wait3A_176] : memref<400000x128xf32, #tpu.memory_space<hbm>> -> memref<160x128xf32, #tpu.memory_space<hbm>>
          %dma_wait3A_178 = arith.constant 0 : i32
          %dma_wait3A_179 = arith.constant 0 : i32
          %dma_wait3A_180 = tpu.memref_slice %arg4[%dma_wait3A_178, %dma_wait3A_179] : memref<400000x128xf32, #tpu.memory_space<hbm>> -> memref<160x128xf32, #tpu.memory_space<hbm>>
          tpu.wait_dma2 semaphore(%arg22 : memref<!tpu.dma_semaphore, #tpu.memory_space<semaphore_mem>>) src(%arg10 : memref<160x128xf32, #tpu.memory_space<vmem>>) dst(%dma_wait3A_180 : memref<160x128xf32, #tpu.memory_space<hbm>>)
        } else {
        }
        %dma_start3A = arith.constant 0 : i32
        %dma_start3A_173 = arith.constant 0 : i32
        %dma_start3A_174 = tpu.memref_slice %arg2[%dma_start3A, %dma_start3A_173] : memref<400000x128xf32, #tpu.memory_space<hbm>> -> memref<400000x128xf32, #tpu.memory_space<hbm>>
        tpu.enqueue_indirect_dma source(%dma_start3A_174 : memref<400000x128xf32, #tpu.memory_space<hbm>>) target(%arg10 : memref<160x128xf32, #tpu.memory_space<vmem>>) offsets(%arg6 : memref<160xi32, #tpu.memory_space<vmem>>) semaphore(%arg18 : memref<!tpu.dma_semaphore, #tpu.memory_space<semaphore_mem>>)
      } else {
      }
      %ge3A_90 = arith.constant 1 : i32
      %ge3A_91 = arith.cmpi sge, %add3A_81, %ge3A_90 : i32
      %sub3A_92 = arith.constant 32 : i32
      %sub3A_93 = arith.subi %add3A_84, %sub3A_92 : i32
      %lt3A_94 = arith.constant 2500 : i32
      %lt3A_95 = arith.cmpi slt, %sub3A_93, %lt3A_94 : i32
      %and3A_96 = arith.andi %ge3A_91, %lt3A_95 : i1
      %convert_element_type3A_97 = arith.extui %and3A_96 : i1 to i32
      %cond3A_98 = arith.constant 0 : i32
      %cond3A_99 = arith.cmpi ne, %convert_element_type3A_97, %cond3A_98 : i32
      scf.if %cond3A_99 {
        %dma_wait3A = arith.constant 0 : i32
        %dma_wait3A_140 = arith.constant 0 : i32
        %dma_wait3A_141 = tpu.memref_slice %arg2[%dma_wait3A, %dma_wait3A_140] : memref<400000x128xf32, #tpu.memory_space<hbm>> -> memref<400000x128xf32, #tpu.memory_space<hbm>>
        tpu.wait_indirect_dma semaphore(%arg17 : memref<!tpu.dma_semaphore, #tpu.memory_space<semaphore_mem>>) src(%dma_wait3A_141 : memref<400000x128xf32, #tpu.memory_space<hbm>>) dst(%arg9 : memref<160x128xf32, #tpu.memory_space<vmem>>)
        %sub3A_142 = arith.constant 32 : i32
        %sub3A_143 = arith.subi %add3A_84, %sub3A_142 : i32
        %mul3A_144 = arith.constant 160 : i32
        %mul3A_145 = arith.muli %sub3A_143, %mul3A_144 : i32
        %dma_start3A = arith.constant 0 : i32
        %dma_start3A_146 = tpu.memref_slice %arg4[%mul3A_145, %dma_start3A] : memref<400000x128xf32, #tpu.memory_space<hbm>> -> memref<160x128xf32, #tpu.memory_space<hbm>>
        %dma_start3A_147 = arith.constant 0 : i32
        %dma_start3A_148 = tpu.memref_slice %arg4[%mul3A_145, %dma_start3A_147] : memref<400000x128xf32, #tpu.memory_space<hbm>> -> memref<160x128xf32, #tpu.memory_space<hbm>>
        tpu.enqueue_dma source(%arg9 : memref<160x128xf32, #tpu.memory_space<vmem>>) target(%dma_start3A_148 : memref<160x128xf32, #tpu.memory_space<hbm>>) target_semaphore(%arg21 : memref<!tpu.dma_semaphore, #tpu.memory_space<semaphore_mem>>)
        %add3A_149 = arith.constant 96 : i32
        %add3A_150 = arith.addi %add3A_84, %add3A_149 : i32
        %lt3A_151 = arith.constant 2500 : i32
        %lt3A_152 = arith.cmpi slt, %add3A_150, %lt3A_151 : i32
        %convert_element_type3A_153 = arith.extui %lt3A_152 : i1 to i32
        %cond3A_154 = arith.constant 0 : i32
        %cond3A_155 = arith.cmpi ne, %convert_element_type3A_153, %cond3A_154 : i32
        scf.if %cond3A_155 {
          %add3A_156 = arith.constant 96 : i32
          %add3A_157 = arith.addi %add3A_84, %add3A_156 : i32
          %mul3A_158 = arith.constant 160 : i32
          %mul3A_159 = arith.muli %add3A_157, %mul3A_158 : i32
          %dma_start3A_160 = tpu.memref_slice %arg3[%mul3A_159] : memref<400000xi32, #tpu.memory_space<hbm>> -> memref<160xi32, #tpu.memory_space<hbm>>
          %dma_start3A_161 = tpu.memref_slice %arg3[%mul3A_159] : memref<400000xi32, #tpu.memory_space<hbm>> -> memref<160xi32, #tpu.memory_space<hbm>>
          tpu.enqueue_dma source(%dma_start3A_161 : memref<160xi32, #tpu.memory_space<hbm>>) target(%arg5 : memref<160xi32, #tpu.memory_space<vmem>>) target_semaphore(%arg13 : memref<!tpu.dma_semaphore, #tpu.memory_space<semaphore_mem>>)
        } else {
        }
      } else {
      }
      %add3A_100 = arith.constant 2 : i32
      %add3A_101 = arith.addi %add3A_62, %add3A_100 : i32
      %mul3A_102 = arith.constant 32 : i32
      %mul3A_103 = arith.muli %add3A_101, %mul3A_102 : i32
      %add3A_104 = arith.addi %add3A, %mul3A_103 : i32
      %lt3A_105 = arith.constant 2500 : i32
      %lt3A_106 = arith.cmpi slt, %add3A_104, %lt3A_105 : i32
      %convert_element_type3A_107 = arith.extui %lt3A_106 : i1 to i32
      %cond3A_108 = arith.constant 0 : i32
      %cond3A_109 = arith.cmpi ne, %convert_element_type3A_107, %cond3A_108 : i32
      scf.if %cond3A_109 {
        %dma_wait3A = arith.constant 0 : i32
        %dma_wait3A_140 = tpu.memref_slice %arg3[%dma_wait3A] : memref<400000xi32, #tpu.memory_space<hbm>> -> memref<160xi32, #tpu.memory_space<hbm>>
        %dma_wait3A_141 = arith.constant 0 : i32
        %dma_wait3A_142 = tpu.memref_slice %arg3[%dma_wait3A_141] : memref<400000xi32, #tpu.memory_space<hbm>> -> memref<160xi32, #tpu.memory_space<hbm>>
        tpu.wait_dma2 semaphore(%arg15 : memref<!tpu.dma_semaphore, #tpu.memory_space<semaphore_mem>>) src(%dma_wait3A_142 : memref<160xi32, #tpu.memory_space<hbm>>) dst(%arg7 : memref<160xi32, #tpu.memory_space<vmem>>)
        %jit3A = arith.constant 625 : i32
        %div3A = arith.divsi %add3A_104, %jit3A : i32
        %sign3A = arith.constant 0 : i32
        %sign3A_143 = arith.cmpi sgt, %add3A_104, %sign3A : i32
        %sign3A_144 = arith.extui %sign3A_143 : i1 to i32
        %sign3A_145 = arith.constant 0 : i32
        %sign3A_146 = arith.cmpi slt, %add3A_104, %sign3A_145 : i32
        %sign3A_147 = arith.extui %sign3A_146 : i1 to i32
        %sign3A_148 = arith.subi %sign3A_144, %sign3A_147 : i32
        %sign3A_149 = arith.constant 0 : i32
        %sign3A_150 = arith.cmpi sgt, %jit3A, %sign3A_149 : i32
        %sign3A_151 = arith.extui %sign3A_150 : i1 to i32
        %sign3A_152 = arith.constant 0 : i32
        %sign3A_153 = arith.cmpi slt, %jit3A, %sign3A_152 : i32
        %sign3A_154 = arith.extui %sign3A_153 : i1 to i32
        %sign3A_155 = arith.subi %sign3A_151, %sign3A_154 : i32
        %ne3A = arith.cmpi ne, %sign3A_148, %sign3A_155 : i32
        %rem3A = arith.remsi %add3A_104, %jit3A : i32
        %ne3A_156 = arith.constant 0 : i32
        %ne3A_157 = arith.cmpi ne, %rem3A, %ne3A_156 : i32
        %and3A_158 = arith.andi %ne3A, %ne3A_157 : i1
        %sub3A_159 = arith.constant 1 : i32
        %sub3A_160 = arith.subi %div3A, %sub3A_159 : i32
        %select_n3A = arith.select %and3A_158, %sub3A_160, %div3A : i32
        %mul3A_161 = arith.constant 100000 : i32
        %mul3A_162 = arith.muli %select_n3A, %mul3A_161 : i32
        %scan3A_163 = arith.constant 0 : i32
        %scan3A_164 = arith.constant 10 : i32
        %scan3A_165 = arith.addi %scan3A_163, %scan3A_164 : i32
        %scan3A_166 = arith.constant 1 : i32
        scf.for %scan3A_175 = %scan3A_163 to %scan3A_165 step %scan3A_166  : i32 {
          %mul3A_176 = arith.constant 16 : i32
          %mul3A_177 = arith.muli %scan3A_175, %mul3A_176 : i32
          %add3A_178 = arith.constant 0 : i32
          %add3A_179 = arith.addi %add3A_178, %mul3A_177 : i32
          %get3A = arith.index_cast %add3A_179 : i32 to index
          %get3A_180 = tpu.vector_load %arg7[%get3A] {strides = array<i32>} : memref<160xi32, #tpu.memory_space<vmem>>, vector<16xi32>,
          %get3A_181 = vector.shape_cast %get3A_180 : vector<16xi32> to vector<16xi32>
          %add3A_182 = vector.broadcast %mul3A_162 : i32 to vector<16xi32>
          %add3A_183 = arith.addi %get3A_181, %add3A_182 : vector<16xi32>
          %swap3A = arith.index_cast %add3A_179 : i32 to index
          %swap3A_184 = tpu.vector_load %arg7[%swap3A] {strides = array<i32>} : memref<160xi32, #tpu.memory_space<vmem>>, vector<16xi32>,
          %swap3A_185 = vector.shape_cast %swap3A_184 : vector<16xi32> to vector<16xi32>
          %swap3A_186 = vector.shape_cast %add3A_183 : vector<16xi32> to vector<16xi32>
          tpu.vector_store %arg7[%swap3A], %swap3A_186 {strides = array<i32>} : memref<160xi32, #tpu.memory_space<vmem>>, vector<16xi32>,
        }
        %scan3A_167 = arith.constant 10 : i32
        %ge3A_168 = arith.constant 4 : i32
        %ge3A_169 = arith.cmpi sge, %add3A_101, %ge3A_168 : i32
        %convert_element_type3A_170 = arith.extui %ge3A_169 : i1 to i32
        %cond3A_171 = arith.constant 0 : i32
        %cond3A_172 = arith.cmpi ne, %convert_element_type3A_170, %cond3A_171 : i32
        scf.if %cond3A_172 {
          %dma_wait3A_175 = arith.constant 0 : i32
          %dma_wait3A_176 = arith.constant 0 : i32
          %dma_wait3A_177 = tpu.memref_slice %arg4[%dma_wait3A_175, %dma_wait3A_176] : memref<400000x128xf32, #tpu.memory_space<hbm>> -> memref<160x128xf32, #tpu.memory_space<hbm>>
          %dma_wait3A_178 = arith.constant 0 : i32
          %dma_wait3A_179 = arith.constant 0 : i32
          %dma_wait3A_180 = tpu.memref_slice %arg4[%dma_wait3A_178, %dma_wait3A_179] : memref<400000x128xf32, #tpu.memory_space<hbm>> -> memref<160x128xf32, #tpu.memory_space<hbm>>
          tpu.wait_dma2 semaphore(%arg23 : memref<!tpu.dma_semaphore, #tpu.memory_space<semaphore_mem>>) src(%arg11 : memref<160x128xf32, #tpu.memory_space<vmem>>) dst(%dma_wait3A_180 : memref<160x128xf32, #tpu.memory_space<hbm>>)
        } else {
        }
        %dma_start3A = arith.constant 0 : i32
        %dma_start3A_173 = arith.constant 0 : i32
        %dma_start3A_174 = tpu.memref_slice %arg2[%dma_start3A, %dma_start3A_173] : memref<400000x128xf32, #tpu.memory_space<hbm>> -> memref<400000x128xf32, #tpu.memory_space<hbm>>
        tpu.enqueue_indirect_dma source(%dma_start3A_174 : memref<400000x128xf32, #tpu.memory_space<hbm>>) target(%arg11 : memref<160x128xf32, #tpu.memory_space<vmem>>) offsets(%arg7 : memref<160xi32, #tpu.memory_space<vmem>>) semaphore(%arg19 : memref<!tpu.dma_semaphore, #tpu.memory_space<semaphore_mem>>)
      } else {
      }
      %ge3A_110 = arith.constant 1 : i32
      %ge3A_111 = arith.cmpi sge, %add3A_101, %ge3A_110 : i32
      %sub3A_112 = arith.constant 32 : i32
      %sub3A_113 = arith.subi %add3A_104, %sub3A_112 : i32
      %lt3A_114 = arith.constant 2500 : i32
      %lt3A_115 = arith.cmpi slt, %sub3A_113, %lt3A_114 : i32
      %and3A_116 = arith.andi %ge3A_111, %lt3A_115 : i1
      %convert_element_type3A_117 = arith.extui %and3A_116 : i1 to i32
      %cond3A_118 = arith.constant 0 : i32
      %cond3A_119 = arith.cmpi ne, %convert_element_type3A_117, %cond3A_118 : i32
      scf.if %cond3A_119 {
        %dma_wait3A = arith.constant 0 : i32
        %dma_wait3A_140 = arith.constant 0 : i32
        %dma_wait3A_141 = tpu.memref_slice %arg2[%dma_wait3A, %dma_wait3A_140] : memref<400000x128xf32, #tpu.memory_space<hbm>> -> memref<400000x128xf32, #tpu.memory_space<hbm>>
        tpu.wait_indirect_dma semaphore(%arg18 : memref<!tpu.dma_semaphore, #tpu.memory_space<semaphore_mem>>) src(%dma_wait3A_141 : memref<400000x128xf32, #tpu.memory_space<hbm>>) dst(%arg10 : memref<160x128xf32, #tpu.memory_space<vmem>>)
        %sub3A_142 = arith.constant 32 : i32
        %sub3A_143 = arith.subi %add3A_104, %sub3A_142 : i32
        %mul3A_144 = arith.constant 160 : i32
        %mul3A_145 = arith.muli %sub3A_143, %mul3A_144 : i32
        %dma_start3A = arith.constant 0 : i32
        %dma_start3A_146 = tpu.memref_slice %arg4[%mul3A_145, %dma_start3A] : memref<400000x128xf32, #tpu.memory_space<hbm>> -> memref<160x128xf32, #tpu.memory_space<hbm>>
        %dma_start3A_147 = arith.constant 0 : i32
        %dma_start3A_148 = tpu.memref_slice %arg4[%mul3A_145, %dma_start3A_147] : memref<400000x128xf32, #tpu.memory_space<hbm>> -> memref<160x128xf32, #tpu.memory_space<hbm>>
        tpu.enqueue_dma source(%arg10 : memref<160x128xf32, #tpu.memory_space<vmem>>) target(%dma_start3A_148 : memref<160x128xf32, #tpu.memory_space<hbm>>) target_semaphore(%arg22 : memref<!tpu.dma_semaphore, #tpu.memory_space<semaphore_mem>>)
        %add3A_149 = arith.constant 96 : i32
        %add3A_150 = arith.addi %add3A_104, %add3A_149 : i32
        %lt3A_151 = arith.constant 2500 : i32
        %lt3A_152 = arith.cmpi slt, %add3A_150, %lt3A_151 : i32
        %convert_element_type3A_153 = arith.extui %lt3A_152 : i1 to i32
        %cond3A_154 = arith.constant 0 : i32
        %cond3A_155 = arith.cmpi ne, %convert_element_type3A_153, %cond3A_154 : i32
        scf.if %cond3A_155 {
          %add3A_156 = arith.constant 96 : i32
          %add3A_157 = arith.addi %add3A_104, %add3A_156 : i32
          %mul3A_158 = arith.constant 160 : i32
          %mul3A_159 = arith.muli %add3A_157, %mul3A_158 : i32
          %dma_start3A_160 = tpu.memref_slice %arg3[%mul3A_159] : memref<400000xi32, #tpu.memory_space<hbm>> -> memref<160xi32, #tpu.memory_space<hbm>>
          %dma_start3A_161 = tpu.memref_slice %arg3[%mul3A_159] : memref<400000xi32, #tpu.memory_space<hbm>> -> memref<160xi32, #tpu.memory_space<hbm>>
          tpu.enqueue_dma source(%dma_start3A_161 : memref<160xi32, #tpu.memory_space<hbm>>) target(%arg6 : memref<160xi32, #tpu.memory_space<vmem>>) target_semaphore(%arg14 : memref<!tpu.dma_semaphore, #tpu.memory_space<semaphore_mem>>)
        } else {
        }
      } else {
      }
      %add3A_120 = arith.constant 3 : i32
      %add3A_121 = arith.addi %add3A_62, %add3A_120 : i32
      %mul3A_122 = arith.constant 32 : i32
      %mul3A_123 = arith.muli %add3A_121, %mul3A_122 : i32
      %add3A_124 = arith.addi %add3A, %mul3A_123 : i32
      %lt3A_125 = arith.constant 2500 : i32
      %lt3A_126 = arith.cmpi slt, %add3A_124, %lt3A_125 : i32
      %convert_element_type3A_127 = arith.extui %lt3A_126 : i1 to i32
      %cond3A_128 = arith.constant 0 : i32
      %cond3A_129 = arith.cmpi ne, %convert_element_type3A_127, %cond3A_128 : i32
      scf.if %cond3A_129 {
        %dma_wait3A = arith.constant 0 : i32
        %dma_wait3A_140 = tpu.memref_slice %arg3[%dma_wait3A] : memref<400000xi32, #tpu.memory_space<hbm>> -> memref<160xi32, #tpu.memory_space<hbm>>
        %dma_wait3A_141 = arith.constant 0 : i32
        %dma_wait3A_142 = tpu.memref_slice %arg3[%dma_wait3A_141] : memref<400000xi32, #tpu.memory_space<hbm>> -> memref<160xi32, #tpu.memory_space<hbm>>
        tpu.wait_dma2 semaphore(%arg16 : memref<!tpu.dma_semaphore, #tpu.memory_space<semaphore_mem>>) src(%dma_wait3A_142 : memref<160xi32, #tpu.memory_space<hbm>>) dst(%arg8 : memref<160xi32, #tpu.memory_space<vmem>>)
        %jit3A = arith.constant 625 : i32
        %div3A = arith.divsi %add3A_124, %jit3A : i32
        %sign3A = arith.constant 0 : i32
        %sign3A_143 = arith.cmpi sgt, %add3A_124, %sign3A : i32
        %sign3A_144 = arith.extui %sign3A_143 : i1 to i32
        %sign3A_145 = arith.constant 0 : i32
        %sign3A_146 = arith.cmpi slt, %add3A_124, %sign3A_145 : i32
        %sign3A_147 = arith.extui %sign3A_146 : i1 to i32
        %sign3A_148 = arith.subi %sign3A_144, %sign3A_147 : i32
        %sign3A_149 = arith.constant 0 : i32
        %sign3A_150 = arith.cmpi sgt, %jit3A, %sign3A_149 : i32
        %sign3A_151 = arith.extui %sign3A_150 : i1 to i32
        %sign3A_152 = arith.constant 0 : i32
        %sign3A_153 = arith.cmpi slt, %jit3A, %sign3A_152 : i32
        %sign3A_154 = arith.extui %sign3A_153 : i1 to i32
        %sign3A_155 = arith.subi %sign3A_151, %sign3A_154 : i32
        %ne3A = arith.cmpi ne, %sign3A_148, %sign3A_155 : i32
        %rem3A = arith.remsi %add3A_124, %jit3A : i32
        %ne3A_156 = arith.constant 0 : i32
        %ne3A_157 = arith.cmpi ne, %rem3A, %ne3A_156 : i32
        %and3A_158 = arith.andi %ne3A, %ne3A_157 : i1
        %sub3A_159 = arith.constant 1 : i32
        %sub3A_160 = arith.subi %div3A, %sub3A_159 : i32
        %select_n3A = arith.select %and3A_158, %sub3A_160, %div3A : i32
        %mul3A_161 = arith.constant 100000 : i32
        %mul3A_162 = arith.muli %select_n3A, %mul3A_161 : i32
        %scan3A_163 = arith.constant 0 : i32
        %scan3A_164 = arith.constant 10 : i32
        %scan3A_165 = arith.addi %scan3A_163, %scan3A_164 : i32
        %scan3A_166 = arith.constant 1 : i32
        scf.for %scan3A_175 = %scan3A_163 to %scan3A_165 step %scan3A_166  : i32 {
          %mul3A_176 = arith.constant 16 : i32
          %mul3A_177 = arith.muli %scan3A_175, %mul3A_176 : i32
          %add3A_178 = arith.constant 0 : i32
          %add3A_179 = arith.addi %add3A_178, %mul3A_177 : i32
          %get3A = arith.index_cast %add3A_179 : i32 to index
          %get3A_180 = tpu.vector_load %arg8[%get3A] {strides = array<i32>} : memref<160xi32, #tpu.memory_space<vmem>>, vector<16xi32>,
          %get3A_181 = vector.shape_cast %get3A_180 : vector<16xi32> to vector<16xi32>
          %add3A_182 = vector.broadcast %mul3A_162 : i32 to vector<16xi32>
          %add3A_183 = arith.addi %get3A_181, %add3A_182 : vector<16xi32>
          %swap3A = arith.index_cast %add3A_179 : i32 to index
          %swap3A_184 = tpu.vector_load %arg8[%swap3A] {strides = array<i32>} : memref<160xi32, #tpu.memory_space<vmem>>, vector<16xi32>,
          %swap3A_185 = vector.shape_cast %swap3A_184 : vector<16xi32> to vector<16xi32>
          %swap3A_186 = vector.shape_cast %add3A_183 : vector<16xi32> to vector<16xi32>
          tpu.vector_store %arg8[%swap3A], %swap3A_186 {strides = array<i32>} : memref<160xi32, #tpu.memory_space<vmem>>, vector<16xi32>,
        }
        %scan3A_167 = arith.constant 10 : i32
        %ge3A_168 = arith.constant 4 : i32
        %ge3A_169 = arith.cmpi sge, %add3A_121, %ge3A_168 : i32
        %convert_element_type3A_170 = arith.extui %ge3A_169 : i1 to i32
        %cond3A_171 = arith.constant 0 : i32
        %cond3A_172 = arith.cmpi ne, %convert_element_type3A_170, %cond3A_171 : i32
        scf.if %cond3A_172 {
          %dma_wait3A_175 = arith.constant 0 : i32
          %dma_wait3A_176 = arith.constant 0 : i32
          %dma_wait3A_177 = tpu.memref_slice %arg4[%dma_wait3A_175, %dma_wait3A_176] : memref<400000x128xf32, #tpu.memory_space<hbm>> -> memref<160x128xf32, #tpu.memory_space<hbm>>
          %dma_wait3A_178 = arith.constant 0 : i32
          %dma_wait3A_179 = arith.constant 0 : i32
          %dma_wait3A_180 = tpu.memref_slice %arg4[%dma_wait3A_178, %dma_wait3A_179] : memref<400000x128xf32, #tpu.memory_space<hbm>> -> memref<160x128xf32, #tpu.memory_space<hbm>>
          tpu.wait_dma2 semaphore(%arg24 : memref<!tpu.dma_semaphore, #tpu.memory_space<semaphore_mem>>) src(%arg12 : memref<160x128xf32, #tpu.memory_space<vmem>>) dst(%dma_wait3A_180 : memref<160x128xf32, #tpu.memory_space<hbm>>)
        } else {
        }
        %dma_start3A = arith.constant 0 : i32
        %dma_start3A_173 = arith.constant 0 : i32
        %dma_start3A_174 = tpu.memref_slice %arg2[%dma_start3A, %dma_start3A_173] : memref<400000x128xf32, #tpu.memory_space<hbm>> -> memref<400000x128xf32, #tpu.memory_space<hbm>>
        tpu.enqueue_indirect_dma source(%dma_start3A_174 : memref<400000x128xf32, #tpu.memory_space<hbm>>) target(%arg12 : memref<160x128xf32, #tpu.memory_space<vmem>>) offsets(%arg8 : memref<160xi32, #tpu.memory_space<vmem>>) semaphore(%arg20 : memref<!tpu.dma_semaphore, #tpu.memory_space<semaphore_mem>>)
      } else {
      }
      %ge3A_130 = arith.constant 1 : i32
      %ge3A_131 = arith.cmpi sge, %add3A_121, %ge3A_130 : i32
      %sub3A_132 = arith.constant 32 : i32
      %sub3A_133 = arith.subi %add3A_124, %sub3A_132 : i32
      %lt3A_134 = arith.constant 2500 : i32
      %lt3A_135 = arith.cmpi slt, %sub3A_133, %lt3A_134 : i32
      %and3A_136 = arith.andi %ge3A_131, %lt3A_135 : i1
      %convert_element_type3A_137 = arith.extui %and3A_136 : i1 to i32
      %cond3A_138 = arith.constant 0 : i32
      %cond3A_139 = arith.cmpi ne, %convert_element_type3A_137, %cond3A_138 : i32
      scf.if %cond3A_139 {
        %dma_wait3A = arith.constant 0 : i32
        %dma_wait3A_140 = arith.constant 0 : i32
        %dma_wait3A_141 = tpu.memref_slice %arg2[%dma_wait3A, %dma_wait3A_140] : memref<400000x128xf32, #tpu.memory_space<hbm>> -> memref<400000x128xf32, #tpu.memory_space<hbm>>
        tpu.wait_indirect_dma semaphore(%arg19 : memref<!tpu.dma_semaphore, #tpu.memory_space<semaphore_mem>>) src(%dma_wait3A_141 : memref<400000x128xf32, #tpu.memory_space<hbm>>) dst(%arg11 : memref<160x128xf32, #tpu.memory_space<vmem>>)
        %sub3A_142 = arith.constant 32 : i32
        %sub3A_143 = arith.subi %add3A_124, %sub3A_142 : i32
        %mul3A_144 = arith.constant 160 : i32
        %mul3A_145 = arith.muli %sub3A_143, %mul3A_144 : i32
        %dma_start3A = arith.constant 0 : i32
        %dma_start3A_146 = tpu.memref_slice %arg4[%mul3A_145, %dma_start3A] : memref<400000x128xf32, #tpu.memory_space<hbm>> -> memref<160x128xf32, #tpu.memory_space<hbm>>
        %dma_start3A_147 = arith.constant 0 : i32
        %dma_start3A_148 = tpu.memref_slice %arg4[%mul3A_145, %dma_start3A_147] : memref<400000x128xf32, #tpu.memory_space<hbm>> -> memref<160x128xf32, #tpu.memory_space<hbm>>
        tpu.enqueue_dma source(%arg11 : memref<160x128xf32, #tpu.memory_space<vmem>>) target(%dma_start3A_148 : memref<160x128xf32, #tpu.memory_space<hbm>>) target_semaphore(%arg23 : memref<!tpu.dma_semaphore, #tpu.memory_space<semaphore_mem>>)
        %add3A_149 = arith.constant 96 : i32
        %add3A_150 = arith.addi %add3A_124, %add3A_149 : i32
        %lt3A_151 = arith.constant 2500 : i32
        %lt3A_152 = arith.cmpi slt, %add3A_150, %lt3A_151 : i32
        %convert_element_type3A_153 = arith.extui %lt3A_152 : i1 to i32
        %cond3A_154 = arith.constant 0 : i32
        %cond3A_155 = arith.cmpi ne, %convert_element_type3A_153, %cond3A_154 : i32
        scf.if %cond3A_155 {
          %add3A_156 = arith.constant 96 : i32
          %add3A_157 = arith.addi %add3A_124, %add3A_156 : i32
          %mul3A_158 = arith.constant 160 : i32
          %mul3A_159 = arith.muli %add3A_157, %mul3A_158 : i32
          %dma_start3A_160 = tpu.memref_slice %arg3[%mul3A_159] : memref<400000xi32, #tpu.memory_space<hbm>> -> memref<160xi32, #tpu.memory_space<hbm>>
          %dma_start3A_161 = tpu.memref_slice %arg3[%mul3A_159] : memref<400000xi32, #tpu.memory_space<hbm>> -> memref<160xi32, #tpu.memory_space<hbm>>
          tpu.enqueue_dma source(%dma_start3A_161 : memref<160xi32, #tpu.memory_space<hbm>>) target(%arg7 : memref<160xi32, #tpu.memory_space<vmem>>) target_semaphore(%arg15 : memref<!tpu.dma_semaphore, #tpu.memory_space<semaphore_mem>>)
        } else {
        }
      } else {
      }
    }
    %scan3A_29 = arith.constant 20 : i32
    %add3A_30 = arith.constant 0 : i32
    %add3A_31 = arith.addi %add3A, %add3A_30 : i32
    %lt3A_32 = arith.constant 2500 : i32
    %lt3A_33 = arith.cmpi slt, %add3A_31, %lt3A_32 : i32
    %convert_element_type3A_34 = arith.extui %lt3A_33 : i1 to i32
    %cond3A_35 = arith.constant 0 : i32
    %cond3A_36 = arith.cmpi ne, %convert_element_type3A_34, %cond3A_35 : i32
    scf.if %cond3A_36 {
      %dma_wait3A = arith.constant 0 : i32
      %dma_wait3A_58 = arith.constant 0 : i32
      %dma_wait3A_59 = tpu.memref_slice %arg4[%dma_wait3A, %dma_wait3A_58] : memref<400000x128xf32, #tpu.memory_space<hbm>> -> memref<160x128xf32, #tpu.memory_space<hbm>>
      %dma_wait3A_60 = arith.constant 0 : i32
      %dma_wait3A_61 = arith.constant 0 : i32
      %dma_wait3A_62 = tpu.memref_slice %arg4[%dma_wait3A_60, %dma_wait3A_61] : memref<400000x128xf32, #tpu.memory_space<hbm>> -> memref<160x128xf32, #tpu.memory_space<hbm>>
      tpu.wait_dma2 semaphore(%arg21 : memref<!tpu.dma_semaphore, #tpu.memory_space<semaphore_mem>>) src(%arg9 : memref<160x128xf32, #tpu.memory_space<vmem>>) dst(%dma_wait3A_62 : memref<160x128xf32, #tpu.memory_space<hbm>>)
    } else {
    }
    %add3A_37 = arith.constant 32 : i32
    %add3A_38 = arith.addi %add3A, %add3A_37 : i32
    %lt3A_39 = arith.constant 2500 : i32
    %lt3A_40 = arith.cmpi slt, %add3A_38, %lt3A_39 : i32
    %convert_element_type3A_41 = arith.extui %lt3A_40 : i1 to i32
    %cond3A_42 = arith.constant 0 : i32
    %cond3A_43 = arith.cmpi ne, %convert_element_type3A_41, %cond3A_42 : i32
    scf.if %cond3A_43 {
      %dma_wait3A = arith.constant 0 : i32
      %dma_wait3A_58 = arith.constant 0 : i32
      %dma_wait3A_59 = tpu.memref_slice %arg4[%dma_wait3A, %dma_wait3A_58] : memref<400000x128xf32, #tpu.memory_space<hbm>> -> memref<160x128xf32, #tpu.memory_space<hbm>>
      %dma_wait3A_60 = arith.constant 0 : i32
      %dma_wait3A_61 = arith.constant 0 : i32
      %dma_wait3A_62 = tpu.memref_slice %arg4[%dma_wait3A_60, %dma_wait3A_61] : memref<400000x128xf32, #tpu.memory_space<hbm>> -> memref<160x128xf32, #tpu.memory_space<hbm>>
      tpu.wait_dma2 semaphore(%arg22 : memref<!tpu.dma_semaphore, #tpu.memory_space<semaphore_mem>>) src(%arg10 : memref<160x128xf32, #tpu.memory_space<vmem>>) dst(%dma_wait3A_62 : memref<160x128xf32, #tpu.memory_space<hbm>>)
    } else {
    }
    %add3A_44 = arith.constant 64 : i32
    %add3A_45 = arith.addi %add3A, %add3A_44 : i32
    %lt3A_46 = arith.constant 2500 : i32
    %lt3A_47 = arith.cmpi slt, %add3A_45, %lt3A_46 : i32
    %convert_element_type3A_48 = arith.extui %lt3A_47 : i1 to i32
    %cond3A_49 = arith.constant 0 : i32
    %cond3A_50 = arith.cmpi ne, %convert_element_type3A_48, %cond3A_49 : i32
    scf.if %cond3A_50 {
      %dma_wait3A = arith.constant 0 : i32
      %dma_wait3A_58 = arith.constant 0 : i32
      %dma_wait3A_59 = tpu.memref_slice %arg4[%dma_wait3A, %dma_wait3A_58] : memref<400000x128xf32, #tpu.memory_space<hbm>> -> memref<160x128xf32, #tpu.memory_space<hbm>>
      %dma_wait3A_60 = arith.constant 0 : i32
      %dma_wait3A_61 = arith.constant 0 : i32
      %dma_wait3A_62 = tpu.memref_slice %arg4[%dma_wait3A_60, %dma_wait3A_61] : memref<400000x128xf32, #tpu.memory_space<hbm>> -> memref<160x128xf32, #tpu.memory_space<hbm>>
      tpu.wait_dma2 semaphore(%arg23 : memref<!tpu.dma_semaphore, #tpu.memory_space<semaphore_mem>>) src(%arg11 : memref<160x128xf32, #tpu.memory_space<vmem>>) dst(%dma_wait3A_62 : memref<160x128xf32, #tpu.memory_space<hbm>>)
    } else {
    }
    %add3A_51 = arith.constant 96 : i32
    %add3A_52 = arith.addi %add3A, %add3A_51 : i32
    %lt3A_53 = arith.constant 2500 : i32
    %lt3A_54 = arith.cmpi slt, %add3A_52, %lt3A_53 : i32
    %convert_element_type3A_55 = arith.extui %lt3A_54 : i1 to i32
    %cond3A_56 = arith.constant 0 : i32
    %cond3A_57 = arith.cmpi ne, %convert_element_type3A_55, %cond3A_56 : i32
    scf.if %cond3A_57 {
      %dma_wait3A = arith.constant 0 : i32
      %dma_wait3A_58 = arith.constant 0 : i32
      %dma_wait3A_59 = tpu.memref_slice %arg4[%dma_wait3A, %dma_wait3A_58] : memref<400000x128xf32, #tpu.memory_space<hbm>> -> memref<160x128xf32, #tpu.memory_space<hbm>>
      %dma_wait3A_60 = arith.constant 0 : i32
      %dma_wait3A_61 = arith.constant 0 : i32
      %dma_wait3A_62 = tpu.memref_slice %arg4[%dma_wait3A_60, %dma_wait3A_61] : memref<400000x128xf32, #tpu.memory_space<hbm>> -> memref<160x128xf32, #tpu.memory_space<hbm>>
      tpu.wait_dma2 semaphore(%arg24 : memref<!tpu.dma_semaphore, #tpu.memory_space<semaphore_mem>>) src(%arg12 : memref<160x128xf32, #tpu.memory_space<vmem>>) dst(%dma_wait3A_62 : memref<160x128xf32, #tpu.memory_space<hbm>>)
    } else {
    }
    return
  }
}

</mosaic_0001>

<sc_bundles>
// kernel: _sc_gather.3.cloned.1.call-start
scs
__scs_entry_jumppad:
0x0: {  	(pc) =	sbr.rel $0x88, $3  }
0x1: {  	(tag) =	ssettag $0x0;
	lr =	simm.s32 $0x1  }
0x2: {  	[smem:$0x3F9F] =	sst lr;
	_ =	strace $0xD0000000  }
0x3: {  	_ = 	snop  }
0x4: {  	_ = 	snop  }
0x5: {  	_ = 	snop  }
0x6: {  	_ = 	snop  }
0x7: {  	_ = 	snop  }
__scs_overlays_trampoline_lowered:
0x8: {  	[smem:$0x3FAE] =	sst s0  }
0x9: {  	[smem:$0x3FAF] =	sst s1  }
0xa: {  	[smem:$0x3FB0] =	sst s2  }
0xb: {  	[smem:$0x3FB1] =	sst s3  }
0xc: {  	[smem:$0x3FB2] =	sst s4  }
0xd: {  	[smem:$0x3FB3] =	sst s5  }
0xe: {  	[smem:$0x3FB4] =	sst s6  }
0xf: {  	[smem:$0x3FB5] =	sst s7  }
0x10: {  	[smem:$0x3FB6] =	sst s8  }
0x11: {  	[smem:$0x3FB7] =	sst s9;
	s0 =	simm.s32 @!p0 $0x0  }
0x12: {  	s1 =	sld [smem:$0x3F9D];
	s0 =	simm.s32 @p0 $0x1  }
0x13: {  	[smem:$0x3FB8] =	sst s0;
	s0 =	simm.s32 @!p1 $0x0  }
0x14: {  	s2 =	sld [smem:$0x3F9C];
	s0 =	simm.s32 @p1 $0x1  }
0x15: {  	[smem:$0x3FB9] =	sst s0;
	s0 =	simm.s32 @!p2 $0x0  }
0x16: {  	s3 =	sld [smem:$0x3FDB];
	s0 =	simm.s32 @p2 $0x1  }
0x17: {  	s4 =	simm.s32 $0x1BF5;
	[smem:$0x3FBB] =	sst s0  }
0x18: {  	s0 =	sld [smem:$0x3F9E];
	_ =	swait.ge [sflag:s4], $0x0  }
0x19: {  	s7 =	sld [smem:$0x3F9F]  }
0x1a: {  	s8 =	sadd.s32 $0xFFFFE003, lr  }
0x1b: {  	s9 =	sadd.s32 $0xFFFFFEF7, lr;
	s5 =	simm.s32 $0xFFFFFFFF;
	p2 =	slt.u32 s8, $0xFFFFF086  }
0x1c: {  	p1 =	slt.u32 s9, $0xF7A;
	s5 =	simm.s32 @!p2 $0x0  }
0x1d: {  	s5 =	simm.s32 @p1 $0x1;
	p0 =	seq.s32 s7, s2  }
0x1e: {  	s7 =	smul.u32 @!p0 $0xF7A, s2;
	p2 =	seq.s32 @!p0 s5, $0x0  }
0x1f: {  	s9 =	smul.u32 $0xF7A, s1;
	s8 =	simm.s32 @!p0 $0x1BF5;
	p2 =	por !p2, p0  }
0x20: {  	[sflag:s8] =	ssyncset.s32 @!p0 $0xFFFFF086;
	s6 =	sadd.s32 @!p0 s3, s7;
	s7 =	simm.s32 @!p0 $0x108  }
0x21: {  	s3 =	sadd.s32 s3, s9;
	s6 =	sadd.s32 @!p0 $0x88, s6;
	s7 =	simm.s32 @p2 $0x1082  }
0x22: {  	[simem:s7], [sflag:s8] =	dma.local @!p0 [hbm:s6], $0xF7A  }
0x23: {  	s9 =	sor.u32 $0xD0000000, s2;
	s6 =	simm.s32 $0x108;
	_ =	swait.ge @!p0 [sflag:s8], $0x0  }
0x24: {  	s3 =	sadd.s32 $0x88, s3;
	s6 =	simm.s32 @!p1 $0x1082;
	[sflag:s4] =	ssyncset.s32 $0xFFFFF086  }
0x25: {  	[simem:s6], [sflag:s4] =	dma.local [hbm:s3], $0xF7A  }
0x26: {  	[smem:$0x3F9F] =	sst s1;
	(tag) =	ssettag s2;
	_ =	strace s9  }
0x27: {  	s1 =	sld [smem:$0x3FAF]  }
0x28: {  	s2 =	sld [smem:$0x3FB0]  }
0x29: {  	s4 =	sld [smem:$0x3FB2]  }
0x2a: {  	p0 =	seq.s32 s5, $0x0;
	s5 =	sld [smem:$0x3FB3]  }
0x2b: {  	s6 =	sld [smem:$0x3FB4]  }
0x2c: {  	s7 =	sld [smem:$0x3FB5]  }
0x2d: {  	s3 =	simm.s32 $0x108;
	s8 =	sld [smem:$0x3FB6]  }
0x2e: {  	s3 =	simm.s32 @!p0 $0x1082;
	s9 =	sld [smem:$0x3FB7]  }
0x2f: {  	lr =	sadd.s32 s0, s3;
	s0 =	sld [smem:$0x3FAE]  }
0x30: {  	s3 =	sld [smem:$0x3FB1]  }
0x31: {  	[smem:$0x3FBA] =	sst s10  }
0x32: {  	s10 =	sld [smem:$0x3FB8];
	_ =	sdelay $0x3  }
0x33: {  	p0 =	seq.s32 s10, $0x1;
	s10 =	sld [smem:$0x3FBA];
	_ =	sdelay $0x3  }
0x34: {  	[smem:$0x3FBA] =	sst s10  }
0x35: {  	s10 =	sld [smem:$0x3FB9];
	_ =	sdelay $0x3  }
0x36: {  	p1 =	seq.s32 s10, $0x1;
	s10 =	sld [smem:$0x3FBA];
	_ =	sdelay $0x3  }
0x37: {  	[smem:$0x3FBA] =	sst s10  }
0x38: {  	s10 =	sld [smem:$0x3FBB]  }
0x39: {  	_ = 	snop;
	(pc) =	sbr.ind lr, $3  }
0x3a: {  	_ = 	snop  }
0x3b: {  	_ = 	snop  }
0x3c: {  	p2 =	seq.s32 s10, $0x1;
	s10 =	sld [smem:$0x3FBA]  }
0x3d: {  	_ =	shalt  }
0x3e: {  	_ =	shalt  }
0x3f: {  	_ =	shalt  }
0x40: {  	_ =	shalt  }
0x41: {  	_ =	shalt  }
0x42: {  	_ =	shalt  }
0x43: {  	_ =	shalt  }
0x44: {  	_ =	shalt  }
0x45: {  	_ =	shalt  }
0x46: {  	_ =	shalt  }
0x47: {  	_ =	shalt  }
0x48: {  	_ =	shalt  }
0x49: {  	_ =	shalt  }
0x4a: {  	_ =	shalt  }
0x4b: {  	_ =	shalt  }
0x4c: {  	_ =	shalt  }
0x4d: {  	_ =	shalt  }
0x4e: {  	_ =	shalt  }
0x4f: {  	_ =	shalt  }
0x50: {  	_ =	shalt  }
0x51: {  	_ =	shalt  }
0x52: {  	_ =	shalt  }
0x53: {  	_ =	shalt  }
0x54: {  	_ =	shalt  }
0x55: {  	_ =	shalt  }
0x56: {  	_ =	shalt  }
0x57: {  	_ =	shalt  }
0x58: {  	_ =	shalt  }
0x59: {  	_ =	shalt  }
0x5a: {  	_ =	shalt  }
0x5b: {  	_ =	shalt  }
0x5c: {  	_ =	shalt  }
0x5d: {  	_ =	shalt  }
0x5e: {  	_ =	shalt  }
0x5f: {  	_ =	shalt  }
0x60: {  	_ =	shalt  }
0x61: {  	_ =	shalt  }
0x62: {  	_ =	shalt  }
0x63: {  	_ =	shalt  }
0x64: {  	_ =	shalt  }
0x65: {  	_ =	shalt  }
0x66: {  	_ =	shalt  }
0x67: {  	_ =	shalt  }
0x68: {  	_ =	shalt  }
0x69: {  	_ =	shalt  }
0x6a: {  	_ =	shalt  }
0x6b: {  	_ =	shalt  }
0x6c: {  	_ =	shalt  }
0x6d: {  	_ =	shalt  }
0x6e: {  	_ =	shalt  }
0x6f: {  	_ =	shalt  }
0x70: {  	_ =	shalt  }
0x71: {  	_ =	shalt  }
0x72: {  	_ =	shalt  }
0x73: {  	_ =	shalt  }
0x74: {  	_ =	shalt  }
0x75: {  	_ =	shalt  }
0x76: {  	_ =	shalt  }
0x77: {  	_ =	shalt  }
0x78: {  	_ =	shalt  }
0x79: {  	_ =	shalt  }
0x7a: {  	_ =	shalt  }
0x7b: {  	_ =	shalt  }
0x7c: {  	_ =	shalt  }
0x7d: {  	_ =	shalt  }
0x7e: {  	_ =	shalt  }
0x7f: {  	_ =	shalt  }
0x80: {  	_ =	shalt  }
0x81: {  	_ =	shalt  }
0x82: {  	_ =	shalt  }
0x83: {  	_ =	shalt  }
0x84: {  	_ =	shalt  }
0x85: {  	_ =	shalt  }
0x86: {  	_ =	shalt  }
0x87: {  	_ =	shalt  }
.Lfunc_end0:
.L_simem_size_0:
called_computation_lowered:
.L_overlay_start_0:
0x88: {  	s2 =	sld [smem:$0x3FD9]  }
0x89: {  	s3 =	sld [smem:$0x3FFE];
	_ =	sdelay $0x1  }
0x8a: {  	s1 =	srdreg.scid  }
0x8b: {  	s0 =	sand.u32 $0x1, s1  }
0x8c: {  	s18 =	sshll.u32 s0, $0xA;
	s2 =	sadd.s32 s3, s2  }
0x8d: {  	s2 =	sadd.s32 s2, s18  }
0x8e: {  	[smem:$0x3FC6] =	sst s2  }
0x8f: {  	_ = 	snop  }
0x90: {  	s2 =	sld [smem:$0x3FC9]  }
0x91: {  	s19 =	sld [smem:$0x3FC8]  }
0x92: {  	s4 =	sld [smem:$0x3FD0];
	(tm) =	ssettm $0x1  }
0x93: {  	s5 =	sld [smem:$0x3FFB];
	_ =	sdelay $0x3  }
0x94: {  	_ =	strace s5  }
0x95: {  	s5 =	sld [smem:$0x3FFC];
	_ =	sdelay $0x3  }
0x96: {  	_ =	strace s5  }
0x97: {  	s5 =	sld [smem:$0x3FFD];
	_ =	sdelay $0x3  }
0x98: {  	_ =	strace s5  }
0x99: {  	_ =	strace $0x8FFFFFFF  }
0x9a: {  	s20 =	sld [smem:$0x3FDB];
	_ =	sdelay $0x1  }
0x9b: {  	s6 =	simm.s32 $_scs_section_size  }
0x9c: {  	s7 =	simm.s32 $_size__tile_overlayer_lowered;
	s8 =	simm.s32 $_tile_overlayer_lowered  }
0x9d: {  	s23 =	simm.s32 $0x1BFF;
	s22 =	sshll.u32 s8, $0x1;
	s5 =	sadd.s32 s6, s20  }
0x9e: {  	s9 =	simm.s32 $0x0;
	s21 =	sshll.u32 s7, $0x1;
	s7 =	sadd.s32 s22, s5  }
0x9f: {  	[timem:s9], [sflag:s23] =	dma.local [hbm:s7], s21  }
0xa0: {  	_ =	swait.ge [sflag:s23], s21  }
0xa1: {  	s6 =	ssub.s32 $0x0, s21;
	[sflag:s23] =	ssyncset.done $0x0  }
0xa2: {  	[sflag:s23] =	ssyncadd.s32 s6;
	_ =	sdelay $0x1  }
0xa3: {  	s24 =	simm.s32 $0x1B8B  }
0xa4: {  	_ =	swait.ge [sflag:s24], $0x1  }
0xa5: {  	[sflag:s24] =	ssyncset.done $0x0  }
0xa6: {  	s25 =	simm.s32 $0x1B8E;
	[sflag:s24] =	ssyncadd.s32 $0xFFFFFFFF  }
0xa7: {  	s26 =	simm.s32 $execute0_lowered;
	[smem:$0x3FD2] =	sst s25  }
0xa8: {  	s6 =	sshll.u32 s26, $0x1;
	_ =	strace $0x80000046;
	[dreg:$0x1] =	wrdreg $0xFFFFFFFF  }
0xa9: {  	s28 =	simm.s32 $_size_execute0_lowered;
	s5 =	sadd.s32 s5, s6;
	[dreg:$0x0] =	wrdreg $0x0  }
0xaa: {  	s6 =	sshll.u32 s28, $0x1;
	[dreg:$0x2] =	wrdreg s5  }
0xab: {  	[dreg:$0x3] =	wrdreg s6  }
0xac: {  	[dreg:$0x4] =	wrdreg $0xC0  }
0xad: {  	_ =	task [dreg:s9], $0x5FFFF  }
0xae: {  	[dreg:$0x1] =	wrdreg $0xFFFFFFFF  }
0xaf: {  	[dreg:$0x0] =	wrdreg $0x60  }
0xb0: {  	[dreg:$0x2] =	wrdreg s2  }
0xb1: {  	[dreg:$0x3] =	wrdreg s19  }
0xb2: {  	[dreg:$0x4] =	wrdreg s4  }
0xb3: {  	[dreg:$0x5] =	wrdreg $0x9  }
0xb4: {  	_ =	task.clear_ibuf [dreg:s9], $0x6FFFF;
	_ =	strace $0x90000046  }
0xb5: {  	s29 =	simm.s32 $0x9;
	_ =	strace $0x80000048  }
0xb6: {  	_ =	swait.ge [sflag:s29], $0x1  }
0xb7: {  	[sflag:s29] =	ssyncadd.s32 $0xFFFFFFFF  }
0xb8: {  	_ =	strace $0x90000048  }
0xb9: {  	_ =	sfence  }
0xba: {  	s30 =	sld [smem:$0x0];
	_ =	sdelay $0x2  }
0xbb: {  	s31 =	sshll.u32 s1, $0xD;
	s1 =	sshrl.u32 s1, $0x2  }
0xbc: {  	s3 =	sand.u32 $0x4000, s31;
	s1 =	sadd.s32 s1, s30  }
0xbd: {  	s0 =	sor.u32 s3, s0;
	s1 =	sshll.u32 s1, $0x11  }
0xbe: {  	s0 =	sor.u32 s1, s0  }
0xbf: {  	s0 =	sadd.s32 $0x8F2B, s0  }
0xc0: {  	[sflag:s0] =	ssyncadd.remote.s32 $0x1  }
0xc1: {  	_ =	sfence.sel $0xFFFF  }
0xc2: {  	[dreg:$0x0] =	wrdreg $0xFFFFFFFF;
	(pc) =	sbr.abs _section_cstart, $3  }
0xc3: {  	[dreg:$0x1] =	wrdreg $0xFFFFFFFF  }
0xc4: {  	_ =	task.clear_ibuf [dreg:s9], $0x2FFFF;
	_ =	strace $0x9FFFFFFF  }
0xc5: {  	(tm) =	ssettm $0x7FFFFFFF  }
tec
execute0_lowered:
.L_overlay_start_1:
0x0: {  	(tag) =	ssettag $0x1  }
0x1: {  	s0 =	srdreg.scid;
	s1 =	rddreg [dreg:$0x0]  }
0x2: {  	s14 =	stileid.u32;
	s7 =	rddreg [dreg:$0x1]  }
0x3: {  	s5 =	rddreg [dreg:$0x2];
	s8 =	smul.u32 $0x140, s14  }
0x4: {  	s6 =	simm.s32 $0x0;
	s28 =	simm.s32 $0x5;
	s11 =	smul.u32 $0xA000, s14  }
0x5: {  	s29 =	simm.s32 $0x400;
	s0 =	sand.u32 $0x1, s0;
	s22 =	smul.u32 $0x28, s14  }
0x6: {  	s30 =	simm.s32 $0x6;
	s31 =	simm.s32 $0x4;
	s9 =	smul.u32 $0xA0, s0  }
0x7: {  	s2 =	sshll.u32 s14, $0x1;
	[smem:$0x7FF] =	sst s6;
	s13 =	smul.u32 $0x5000, s0  }
0x8: {  	s4 =	sor.u32 s0, s2;
	s10 =	ssub.s32 $0x2, s0;
	s0 =	smul.u32 $0x14, s0  }
0x9: {  	_ =	strace $0x80000047;
	s2 =	smul.u32 $0x14, s4;
	s12 =	sshrl.u32 s10, $0x1  }
0xa: {  	s3 =	smul.u32 $0xA0, s4;
	s10 =	ssub.s32 s10, s12;
	s16 =	sadd.s32 s9, s8  }
0xb: {  	s17 =	sadd.s32 s13, s11;
	s0 =	sadd.s32 s0, s22;
	s8 =	simm.s32 $0x0  }
0xc: {  	s3 =	sshrl.u32 s3, $0x3;
	s2 =	sadd.s32 s7, s2;
	s18 =	sadd.s32 $0x7800, s16  }
0xd: {  	s19 =	sadd.s32 $0x140000, s17;
	s10 =	smax.u32 s10, $0x1;
	s21 =	sadd.s32 $0xA0000, s17  }
0xe: {  	s23 =	sadd.s32 $0x6400, s16;
	s24 =	sshrl.u32 s17, $0x3;
	[dreg:$0x4] =	wrdreg s2  }
0xf: {  	s26 =	sadd.s32 $0xFFF60000, s17;
	s3 =	sadd.s32 s7, s3;
	[dreg:$0x8] =	wrdreg s10  }
0x10: {  	s20 =	sshrl.u32 s19, $0x3;
	s2 =	sadd.s32 $0x5000, s16;
	[dreg:$0xd] =	wrdreg s26  }
0x11: {  	s14 =	sshrl.u32 s23, $0x3;
	s25 =	sadd.s32 s24, s5;
	[dreg:$0xb] =	wrdreg s2  }
0x12: {  	s23 =	simm.s32 $0x1;
	s12 =	sadd.s32 $0x280, s3;
	[dreg:$0xc] =	wrdreg s25  }
0x13: {  	s24 =	simm.s32 $0x2;
	s15 =	sadd.s32 $0x500, s3;
	[dreg:$0x5] =	wrdreg s12  }
.Ltmp0:
0x14: {  	s3 =	sadd.s32 $0x780, s3;
	[dreg:$0x6] =	wrdreg s15;
	(pc) =	sbr.rel .LBB2_1-.Ltmp0, $4  }
0x15: {  	s26 =	simm.s32 $0x5400;
	[dreg:$0x7] =	wrdreg s3;
	s3 =	sadd.s32 s20, s5  }
0x16: {  	s25 =	simm.s32 $0xA0;
	[dreg:$0x9] =	wrdreg s3;
	s3 =	sshrl.u32 s21, $0x3  }
0x17: {  	s12 =	sshrl.u32 s18, $0x3;
	s18 =	sadd.s32 $0x780, s0;
	s3 =	sadd.s32 s3, s5  }
0x18: {  	s20 =	simm.s32 $0x100;
	s0 =	simm.s32 $0x7;
	[dreg:$0xa] =	wrdreg s3  }
.LBB2_7:
0x19: {  	s2 =	simm.s32 $0x9  }
0x1a: {  	_ =	swait.ge [sflag:s2], $0x5000  }
0x1b: {  	[sflag:s2] =	ssyncset.done $0x0  }
0x1c: {  	s19 =	simm.s32 $0xA;
	[sflag:s2] =	ssyncadd.s32 $0xFFFFB000  }
0x1d: {  	_ =	swait.ge [sflag:s19], $0x5000  }
0x1e: {  	[sflag:s19] =	ssyncset.done $0x0  }
0x1f: {  	s21 =	simm.s32 $0xB;
	[sflag:s19] =	ssyncadd.s32 $0xFFFFB000  }
0x20: {  	_ =	swait.ge [sflag:s21], $0x5000  }
0x21: {  	[sflag:s21] =	ssyncset.done $0x0  }
0x22: {  	s3 =	simm.s32 $0xC;
	[sflag:s21] =	ssyncadd.s32 $0xFFFFB000  }
0x23: {  	_ =	swait.ge [sflag:s3], $0x5000  }
0x24: {  	s8 =	rddreg [dreg:$0xe]  }
0x25: {  	s22 =	rddreg [dreg:$0x8];
	s8 =	sadd.s32 $0x1, s8  }
0x26: {  	p0 =	sne.s32 s8, s22  }
.Ltmp1:
0x27: {  	_ = 	snop;
	(pc) =	sbr.rel @!p0 .LBB2_8-.Ltmp1, $3  }
0x28: {  	_ =	sdelay $0x1  }
0x29: {  	[sflag:s3] =	ssyncset.done $0x0  }
0x2a: {  	[sflag:s3] =	ssyncadd.s32 $0xFFFFB000  }
.LBB2_1:
0x2b: {  	[dreg:$0xe] =	wrdreg s8  }
0x2c: {  	s2 =	rddreg [dreg:$0x4]  }
0x2d: {  	s17 =	rddreg [dreg:$0x5]  }
0x2e: {  	s19 =	rddreg [dreg:$0x6]  }
0x2f: {  	s21 =	rddreg [dreg:$0x7]  }
0x30: {  	s16 =	rddreg [dreg:$0xb]  }
0x31: {  	[tilespmem:s6], [sflag:$0x1] =	stream.linear.gather [hbm4b:s2+s6], $0xA0, $0x38;
	[tilespmem:$0x14400] =	vst v63  }
0x32: {  	s15 =	rddreg [dreg:$0xa]  }
0x33: {  	[tilespmem:s20], [sflag:$0x2] =	stream.linear.gather [hbm4b:s17+s6], $0xA0, $0x38;
	[tilespmem:$0x14400] =	vst v63  }
.Ltmp2:
0x34: {  	s13 =	rddreg [dreg:$0x9];
	(pc) =	sbr.rel .LBB2_2-.Ltmp2, $4  }
0x35: {  	s3 =	simm.s32 $0x200;
	s22 =	simm.s32 $0x300;
	s17 =	rddreg [dreg:$0xc]  }
0x36: {  	[tilespmem:s3], [sflag:$0x3] =	stream.linear.gather [hbm4b:s19+s6], $0xA0, $0x38;
	[tilespmem:$0x14400] =	vst v63  }
0x37: {  	s8 =	simm.s32 $0x0;
	s19 =	rddreg [dreg:$0xd];
	s3 =	smov.u32 s7  }
0x38: {  	[tilespmem:s22], [sflag:$0x4] =	stream.linear.gather [hbm4b:s21+s6], $0xA0, $0x38;
	[tilespmem:$0x14400] =	vst v63  }
.LBB2_3:
0x39: {  	s2 =	smul.u32 $0xA36F, s9;
	_ =	sdelay $0x1  }
0x3a: {  	s2 =	sshrl.u32 s2, $0x10  }
0x3b: {  	_ =	swait.ge [sflag:s31], $0xA0;
	s10 =	ssub.s32 s9, s2  }
0x3c: {  	[sflag:s31] =	ssyncset.done $0x0;
	s10 =	sand.u32 $0xFFFE, s10  }
0x3d: {  	[sflag:s31] =	ssyncadd.s32 $0xFFFFFF60;
	s10 =	sshrl.u32 s10, $0x1  }
0x3e: {  	v0 =	vld [tilespmem:$0x300];
	s2 =	sadd.s32 s2, s10  }
0x3f: {  	v1 =	vld [tilespmem:$0x310];
	s2 =	sand.u32 $0xFE00, s2  }
0x40: {  	v2 =	vld [tilespmem:$0x320];
	s2 =	sshrl.u32 s2, $0x9  }
0x41: {  	v3 =	vld [tilespmem:$0x330];
	s2 =	smul.u32 $0x186A0, s2  }
0x42: {  	v4 =	vld [tilespmem:$0x340]  }
0x43: {  	v5 =	vld [tilespmem:$0x350];
	v0 =	vadd.s32 s2, v0  }
0x44: {  	v52 =	vld [tilespmem:$0x360];
	v51 =	vadd.s32 s2, v1;
	[tilespmem:$0x300] =	vst v0  }
0x45: {  	v54 =	vld [tilespmem:$0x370];
	v53 =	vadd.s32 s2, v2;
	[tilespmem:$0x310] =	vst v51  }
0x46: {  	v56 =	vld [tilespmem:$0x380];
	v55 =	vadd.s32 s2, v3;
	[tilespmem:$0x320] =	vst v53  }
0x47: {  	v58 =	vld [tilespmem:$0x390];
	v57 =	vadd.s32 s2, v4;
	[tilespmem:$0x330] =	vst v55  }
0x48: {  	v59 =	vadd.s32 s2, v5;
	[tilespmem:$0x340] =	vst v57  }
0x49: {  	v60 =	vadd.s32 s2, v52;
	[tilespmem:$0x350] =	vst v59  }
0x4a: {  	v61 =	vadd.s32 s2, v54;
	[tilespmem:$0x360] =	vst v60  }
0x4b: {  	v62 =	vadd.s32 s2, v56;
	[tilespmem:$0x370] =	vst v61  }
0x4c: {  	v63 =	vadd.s32 s2, v58;
	[tilespmem:$0x380] =	vst v62  }
0x4d: {  	s2 =	simm.s32 @!p0 $0xC;
	[tilespmem:$0x390] =	vst v63  }
0x4e: {  	_ =	swait.ge @!p0 [sflag:s2], $0x5000  }
0x4f: {  	[sflag:s2] =	ssyncset.done @!p0 $0x0  }
0x50: {  	s21 =	simm.s32 $0x300;
	s22 =	simm.s32 $0xF400;
	[sflag:s2] =	ssyncadd.s32 @!p0 $0xFFFFB000  }
0x51: {  	[tilespmem:s22], [sflag:$0x8] =	stream.indirect.gather [hbm4b:s1+s25], $0x80, s21, s25, $0xb8;
	[tilespmem:$0x14400] =	vst v63  }
.LBB2_5:
0x52: {  	_ =	swait.ge [sflag:s0], $0x5000  }
0x53: {  	[sflag:s0] =	ssyncset.done $0x0  }
0x54: {  	s2 =	simm.s32 $0xA400;
	p0 =	sgt.u32 s9, $0x963;
	[sflag:s0] =	ssyncadd.s32 $0xFFFFB000  }
0x55: {  	[hbm4b:s13+s6] =	stream.linear.scatter [tilespmem:s2], [sflag:$0xB], $0x5000, $0x38;
	[tilespmem:$0x14400] =	vst v63  }
0x56: {  	s9 =	simm.s32 @!p0 $0x0;
	s10 =	simm.s32 @!p0 $0x200;
	s2 =	sadd.s32 @!p0 s3, s12  }
0x57: {  	[tilespmem:s10], [sflag:$0x3] =	stream.linear.gather @!p0 [hbm4b:s2+s9], $0xA0, $0x38;
	[tilespmem:$0x14400] =	vst v63  }
.LBB2_6:
0x58: {  	s8 =	sadd.s32 $0x80, s8  }
0x59: {  	p0 =	sne.s32 s8, $0xA00  }
.Ltmp3:
0x5a: {  	_ = 	snop;
	(pc) =	sbr.rel @!p0 .LBB2_7-.Ltmp3, $3  }
0x5b: {  	_ =	sdelay $0x1  }
0x5c: {  	s3 =	sadd.s32 $0xA00, s3;
	s13 =	sadd.s32 $0x50000, s13;
	s15 =	sadd.s32 $0x50000, s15  }
0x5d: {  	s16 =	sadd.s32 $0x5000, s16;
	s17 =	sadd.s32 $0x50000, s17;
	s19 =	sadd.s32 $0x280000, s19  }
.LBB2_2:
0x5e: {  	s9 =	sadd.s32 s8, s4  }
0x5f: {  	s10 =	smul.u32 $0xA36F, s9;
	_ =	sdelay $0x1  }
0x60: {  	s10 =	sshrl.u32 s10, $0x10  }
0x61: {  	_ =	swait.ge [sflag:s23], $0xA0;
	s11 =	ssub.s32 s9, s10  }
0x62: {  	[sflag:s23] =	ssyncset.done $0x0;
	s11 =	sand.u32 $0xFFFE, s11  }
0x63: {  	[sflag:s23] =	ssyncadd.s32 $0xFFFFFF60;
	s11 =	sshrl.u32 s11, $0x1  }
0x64: {  	v0 =	vld [tilespmem:$0x0];
	s10 =	sadd.s32 s10, s11  }
0x65: {  	v1 =	vld [tilespmem:$0x10];
	s10 =	sand.u32 $0xFE00, s10  }
0x66: {  	v2 =	vld [tilespmem:$0x20];
	s10 =	sshrl.u32 s10, $0x9  }
0x67: {  	v3 =	vld [tilespmem:$0x30];
	s10 =	smul.u32 $0x186A0, s10  }
0x68: {  	v4 =	vld [tilespmem:$0x40]  }
0x69: {  	v5 =	vld [tilespmem:$0x50];
	v0 =	vadd.s32 s10, v0  }
0x6a: {  	v33 =	vld [tilespmem:$0x60];
	v32 =	vadd.s32 s10, v1;
	[tilespmem:$0x0] =	vst v0  }
0x6b: {  	v35 =	vld [tilespmem:$0x70];
	v34 =	vadd.s32 s10, v2;
	[tilespmem:$0x10] =	vst v32  }
0x6c: {  	v37 =	vld [tilespmem:$0x80];
	v36 =	vadd.s32 s10, v3;
	[tilespmem:$0x20] =	vst v34  }
0x6d: {  	v39 =	vld [tilespmem:$0x90];
	v38 =	vadd.s32 s10, v4;
	[tilespmem:$0x30] =	vst v36  }
0x6e: {  	v40 =	vadd.s32 s10, v5;
	[tilespmem:$0x40] =	vst v38  }
0x6f: {  	v41 =	vadd.s32 s10, v33;
	[tilespmem:$0x50] =	vst v40  }
0x70: {  	v42 =	vadd.s32 s10, v35;
	[tilespmem:$0x60] =	vst v41  }
0x71: {  	v43 =	vadd.s32 s10, v37;
	[tilespmem:$0x70] =	vst v42  }
0x72: {  	p0 =	sne.s32 s8, $0x0;
	v44 =	vadd.s32 s10, v39;
	[tilespmem:$0x80] =	vst v43  }
0x73: {  	s10 =	simm.s32 @p0 $0x9;
	[tilespmem:$0x90] =	vst v44  }
0x74: {  	_ =	swait.ge @p0 [sflag:s10], $0x5000  }
0x75: {  	s2 =	simm.s32 @p0 $0x400;
	[sflag:s10] =	ssyncset.done @p0 $0x0  }
0x76: {  	s11 =	simm.s32 @p0 $0x0;
	[sflag:s10] =	ssyncadd.s32 @p0 $0xFFFFB000;
	s10 =	simm.s32 @p0 $0xA0  }
0x77: {  	[tilespmem:s2], [sflag:$0x5] =	stream.indirect.gather @p0 [hbm4b:s1+s10], $0x80, s11, s10, $0xb8;
	[tilespmem:$0x14400] =	vst v63  }
0x78: {  	s2 =	simm.s32 @p0 $0x8  }
0x79: {  	_ =	swait.ge @p0 [sflag:s2], $0x5000  }
0x7a: {  	s10 =	sshrl.u32 @p0 s19, $0x3;
	[sflag:s2] =	ssyncset.done @p0 $0x0  }
0x7b: {  	[sflag:s2] =	ssyncadd.s32 @p0 $0xFFFFB000;
	s2 =	sadd.s32 @p0 s5, s10;
	s10 =	simm.s32 @p0 $0xF400  }
0x7c: {  	[hbm4b:s2+s11] =	stream.linear.scatter @p0 [tilespmem:s10], [sflag:$0xC], $0x5000, $0x38;
	[tilespmem:$0x14400] =	vst v63  }
0x7d: {  	s2 =	sadd.s32 @p0 s8, s4  }
0x7e: {  	s2 =	sadd.s32 @p0 $0x60, s2  }
0x7f: {  	p1 =	sgt.u32 @p0 s2, $0x9C3  }
0x80: {  	p1 =	por p1, !p0  }
0x81: {  	s2 =	sadd.s32 @!p1 s3, s18;
	s10 =	simm.s32 @!p1 $0x0;
	s11 =	simm.s32 @!p1 $0x300  }
0x82: {  	[tilespmem:s11], [sflag:$0x4] =	stream.linear.gather @!p1 [hbm4b:s2+s10], $0xA0, $0x38;
	[tilespmem:$0x14400] =	vst v63  }
0x83: {  	s22 =	simm.s32 @!p0 $0x400;
	s10 =	sadd.s32 $0x20, s9  }
0x84: {  	s2 =	simm.s32 @!p0 $0xA0;
	s11 =	simm.s32 @!p0 $0x0;
	s21 =	smul.u32 $0xA36F, s10  }
0x85: {  	[tilespmem:s22], [sflag:$0x5] =	stream.indirect.gather @!p0 [hbm4b:s1+s2], $0x80, s11, s2, $0xb8;
	[tilespmem:$0x14400] =	vst v63  }
0x86: {  	s21 =	sshrl.u32 s21, $0x10  }
0x87: {  	_ =	swait.ge [sflag:s24], $0xA0;
	s22 =	ssub.s32 s10, s21  }
0x88: {  	[sflag:s24] =	ssyncset.done $0x0;
	s11 =	sand.u32 $0xFFFE, s22  }
0x89: {  	[sflag:s24] =	ssyncadd.s32 $0xFFFFFF60;
	s11 =	sshrl.u32 s11, $0x1  }
0x8a: {  	v45 =	vld [tilespmem:$0x100];
	s2 =	sadd.s32 s21, s11  }
0x8b: {  	v46 =	vld [tilespmem:$0x110];
	s2 =	sand.u32 $0xFE00, s2  }
0x8c: {  	v47 =	vld [tilespmem:$0x120];
	s2 =	sshrl.u32 s2, $0x9  }
0x8d: {  	v48 =	vld [tilespmem:$0x130];
	s2 =	smul.u32 $0x186A0, s2  }
0x8e: {  	v49 =	vld [tilespmem:$0x140]  }
0x8f: {  	v50 =	vld [tilespmem:$0x150];
	v0 =	vadd.s32 s2, v45  }
0x90: {  	v52 =	vld [tilespmem:$0x160];
	v51 =	vadd.s32 s2, v46;
	[tilespmem:$0x100] =	vst v0  }
0x91: {  	v54 =	vld [tilespmem:$0x170];
	v53 =	vadd.s32 s2, v47;
	[tilespmem:$0x110] =	vst v51  }
0x92: {  	v56 =	vld [tilespmem:$0x180];
	v55 =	vadd.s32 s2, v48;
	[tilespmem:$0x120] =	vst v53  }
0x93: {  	v58 =	vld [tilespmem:$0x190];
	v57 =	vadd.s32 s2, v49;
	[tilespmem:$0x130] =	vst v55  }
0x94: {  	v59 =	vadd.s32 s2, v50;
	[tilespmem:$0x140] =	vst v57  }
0x95: {  	v60 =	vadd.s32 s2, v52;
	[tilespmem:$0x150] =	vst v59  }
0x96: {  	v61 =	vadd.s32 s2, v54;
	[tilespmem:$0x160] =	vst v60  }
0x97: {  	v62 =	vadd.s32 s2, v56;
	[tilespmem:$0x170] =	vst v61  }
0x98: {  	p0 =	seq.s32 s8, $0x0;
	v63 =	vadd.s32 s2, v58;
	[tilespmem:$0x180] =	vst v62  }
0x99: {  	s2 =	simm.s32 @!p0 $0xA;
	[tilespmem:$0x190] =	vst v63  }
0x9a: {  	_ =	swait.ge @!p0 [sflag:s2], $0x5000  }
0x9b: {  	[sflag:s2] =	ssyncset.done @!p0 $0x0  }
0x9c: {  	[sflag:s2] =	ssyncadd.s32 @!p0 $0xFFFFB000  }
0x9d: {  	[tilespmem:s26], [sflag:$0x6] =	stream.indirect.gather [hbm4b:s1+s25], $0x80, s20, s25, $0xb8;
	[tilespmem:$0x14400] =	vst v63  }
0x9e: {  	_ =	swait.ge [sflag:s28], $0x5000  }
0x9f: {  	p2 =	sgt.u32 s10, $0x963;
	s10 =	sadd.s32 $0x40, s9;
	[sflag:s28] =	ssyncset.done $0x0  }
0xa0: {  	p1 =	sgt.u32 s10, $0x9C3;
	s2 =	sshrl.u32 @!p2 s16, $0x3;
	[sflag:s28] =	ssyncadd.s32 $0xFFFFB000  }
0xa1: {  	[hbm4b:s17+s6] =	stream.linear.scatter [tilespmem:s29], [sflag:$0x9], $0x5000, $0x38;
	[tilespmem:$0x14400] =	vst v63  }
0xa2: {  	s11 =	simm.s32 @!p2 $0x0;
	s21 =	smul.u32 @!p1 $0xA36F, s10;
	s2 =	sadd.s32 @!p2 s7, s2  }
0xa3: {  	[tilespmem:s11], [sflag:$0x1] =	stream.linear.gather @!p2 [hbm4b:s2+s11], $0xA0, $0x38;
	[tilespmem:$0x14400] =	vst v63  }
0xa4: {  	s2 =	simm.s32 @!p1 $0x3;
	s11 =	sshrl.u32 @!p1 s21, $0x10  }
0xa5: {  	_ =	swait.ge @!p1 [sflag:s2], $0xA0;
	s21 =	ssub.s32 @!p1 s10, s11  }
0xa6: {  	[sflag:s2] =	ssyncset.done @!p1 $0x0;
	s21 =	sand.u32 @!p1 $0xFFFE, s21  }
0xa7: {  	[sflag:s2] =	ssyncadd.s32 @!p1 $0xFFFFFF60;
	s2 =	sshrl.u32 @!p1 s21, $0x1  }
0xa8: {  	s2 =	sadd.s32 @!p1 s11, s2;
	v0 =	vld @!p1 [tilespmem:$0x200]  }
0xa9: {  	v1 =	vld @!p1 [tilespmem:$0x210];
	s2 =	sand.u32 @!p1 $0xFE00, s2  }
0xaa: {  	v2 =	vld @!p1 [tilespmem:$0x220];
	s2 =	sshrl.u32 @!p1 s2, $0x9  }
0xab: {  	v3 =	vld @!p1 [tilespmem:$0x230];
	s2 =	smul.u32 @!p1 $0x186A0, s2  }
0xac: {  	v4 =	vld @!p1 [tilespmem:$0x240]  }
0xad: {  	v5 =	vld @!p1 [tilespmem:$0x250];
	v0 =	vadd.s32 @!p1 s2, v0  }
0xae: {  	[tilespmem:$0x200] =	vst @!p1 v0;
	v0 =	vadd.s32 @!p1 s2, v1;
	v1 =	vld @!p1 [tilespmem:$0x260]  }
0xaf: {  	[tilespmem:$0x210] =	vst @!p1 v0;
	v0 =	vadd.s32 @!p1 s2, v2;
	v2 =	vld @!p1 [tilespmem:$0x270]  }
0xb0: {  	[tilespmem:$0x220] =	vst @!p1 v0;
	v0 =	vadd.s32 @!p1 s2, v3;
	v3 =	vld @!p1 [tilespmem:$0x280]  }
0xb1: {  	[tilespmem:$0x230] =	vst @!p1 v0;
	v0 =	vadd.s32 @!p1 s2, v4;
	v4 =	vld @!p1 [tilespmem:$0x290]  }
0xb2: {  	[tilespmem:$0x240] =	vst @!p1 v0;
	v0 =	vadd.s32 @!p1 s2, v5  }
0xb3: {  	[tilespmem:$0x250] =	vst @!p1 v0;
	v0 =	vadd.s32 @!p1 s2, v1  }
0xb4: {  	[tilespmem:$0x260] =	vst @!p1 v0;
	v0 =	vadd.s32 @!p1 s2, v2  }
0xb5: {  	p2 =	seq.s32 @!p1 s8, $0x0;
	[tilespmem:$0x270] =	vst @!p1 v0;
	v0 =	vadd.s32 @!p1 s2, v3  }
0xb6: {  	p2 =	por p2, p1;
	[tilespmem:$0x280] =	vst @!p1 v0;
	v0 =	vadd.s32 @!p1 s2, v4  }
0xb7: {  	s2 =	simm.s32 @!p2 $0xB;
	[tilespmem:$0x290] =	vst @!p1 v0  }
0xb8: {  	_ =	swait.ge @!p2 [sflag:s2], $0x5000  }
0xb9: {  	s21 =	simm.s32 @!p1 $0xA400;
	[sflag:s2] =	ssyncset.done @!p2 $0x0  }
0xba: {  	s11 =	simm.s32 @!p1 $0x200;
	[sflag:s2] =	ssyncadd.s32 @!p2 $0xFFFFB000;
	s2 =	simm.s32 @!p1 $0xA0  }
0xbb: {  	[tilespmem:s21], [sflag:$0x7] =	stream.indirect.gather @!p1 [hbm4b:s1+s2], $0x80, s11, s2, $0xb8;
	[tilespmem:$0x14400] =	vst v63  }
0xbc: {  	_ =	swait.ge [sflag:s30], $0x5000  }
0xbd: {  	[sflag:s30] =	ssyncset.done $0x0  }
0xbe: {  	s9 =	sadd.s32 $0x60, s9;
	p1 =	sgt.u32 s10, $0x963;
	[sflag:s30] =	ssyncadd.s32 $0xFFFFB000  }
0xbf: {  	[hbm4b:s15+s6] =	stream.linear.scatter [tilespmem:s26], [sflag:$0xA], $0x5000, $0x38;
	[tilespmem:$0x14400] =	vst v63  }
0xc0: {  	s2 =	sadd.s32 @!p1 s3, s14;
	s10 =	simm.s32 @!p1 $0x0;
	s11 =	simm.s32 @!p1 $0x100  }
0xc1: {  	[tilespmem:s11], [sflag:$0x2] =	stream.linear.gather @!p1 [hbm4b:s2+s10], $0xA0, $0x38;
	[tilespmem:$0x14400] =	vst v63  }
0xc2: {  	p1 =	sgt.u32 s9, $0x9C3  }
.Ltmp4:
0xc3: {  	_ = 	snop;
	(pc) =	sbr.rel @!p1 .LBB2_3-.Ltmp4, $1  }
0xc4: {  	_ =	sdelay $0x3  }
0xc5: {  	p0 =	sgt.u32 s9, $0x9E3  }
.Ltmp5:
0xc6: {  	_ = 	snop;
	(pc) =	sbr.rel @p0 .LBB2_6-.Ltmp5, $4  }
.Ltmp6:
0xc7: {  	_ = 	snop;
	(pc) =	sbr.rel @!p0 .LBB2_5-.Ltmp6, $4  }
0xc8: {  	_ = 	snop  }
0xc9: {  	_ = 	snop  }
0xca: {  	_ = 	snop  }
0xcb: {  	_ = 	snop  }
.LBB2_8:
0xcc: {  	_ =	sfence.sel $0x180000  }
0xcd: {  	[bflag:$0x0] =	sbarrier.arrive $0xFFFF  }
0xce: {  	_ =	strace $0x90000047  }
0xcf: {  	s0 =	stileid.u32;
	[bflag:$0x2] =	sbarrier.arrive $0xFFFF  }
0xd0: {  	p0 =	sne.s32 s0, $0x0;
	s0 =	rddreg [dreg:$0x3]  }
0xd1: {  	s0 =	sadd.s32 @!p0 $0x100000, s0  }
0xd2: {  	[sflag:s0] =	ssyncadd.tile.s32 @!p0 $0x1;
	_ =	shalt  }
.Lfunc_end2:
_tile_overlayer_lowered:
.L_overlay_start_2:
0xd3: {  	(tag) =	ssettag $0x2  }
0xd4: {  	s0 =	rddreg [dreg:$0x0];
	s2 =	stileid.u32  }
0xd5: {  	s1 =	rddreg [dreg:$0x1];
	p0 =	sne.s32 s2, $0x0  }
0xd6: {  	s3 =	rddreg [dreg:$0x2];
	[bflag:$0x3] =	sbarrier.arrive $0xFFFF;
	s2 =	simm.s32 @!p0 $0x1C0D  }
0xd7: {  	[timem:s3], [sflag:s2] =	dma.local @!p0 [hbm:s0], s1  }
0xd8: {  	s0 =	simm.s32 @!p0 $0xD  }
0xd9: {  	_ =	swait.ge @!p0 [sflag:s0], s1  }
0xda: {  	s1 =	ssub.s32 @!p0 $0x0, s1;
	[sflag:s0] =	ssyncset.done @!p0 $0x0  }
0xdb: {  	[sflag:s0] =	ssyncadd.s32 @!p0 s1  }
0xdc: {  	[bflag:$0x3] =	sbarrier.arrive $0xFFFF  }
0xdd: {  	_ =	shalt  }

</sc_bundles>
